<compile_context>
chip_gen: v7x
topology: tpu7x:2x2x1
jax: 0.10.2.dev20260603
libtpu: 0.0.44.dev20260713+nightly
codegen_flags: <defaults>
</compile_context>

<pallas_src>
import functools

import jax
import jax.numpy as jnp
from jax import lax
from jax.experimental import pallas as pl
from jax.experimental.pallas import tpu as pltpu
from jax.experimental.pallas import tpu_sc as plsc

_N = 4
_S = 2048
_D = 1024
_NW = 32
_BPW = (_N * _S) // _NW
_WPR = _S // _BPW
_C = 32
_NCH = _BPW // _C
_NBUF = 3


def _build():
    mesh = plsc.VectorSubcoreMesh(core_axis_name="c", subcore_axis_name="s")

    @functools.partial(
        pl.kernel,
        mesh=mesh,
        out_type=jax.ShapeDtypeStruct((_N, _S, _D), jnp.float32),
        scratch_types=[
            pltpu.VMEM((_BPW,), jnp.int32),
            pltpu.VMEM((_NBUF, _C, _D), jnp.float32),
            pltpu.SemaphoreType.DMA,
            pltpu.SemaphoreType.DMA,
        ],
    )
    def gather_kernel(idx_hbm, table_hbm, out_hbm, idx_v, bufs, gsem, osem):
        wid = lax.axis_index("s") * 2 + lax.axis_index("c")
        row = wid // _WPR
        col = (wid % _WPR) * _BPW
        pltpu.sync_copy(idx_hbm.at[row, pl.ds(col, _BPW)], idx_v)

        gathers = [None] * _NCH
        outs = [None] * _NCH
        for g in range(_NBUF):
            gathers[g] = pltpu.async_copy(
                table_hbm.at[idx_v.at[pl.ds(g * _C, _C)]],
                bufs.at[g % _NBUF], gsem)
        for g in range(_NCH):
            gathers[g].wait()
            outs[g] = pltpu.async_copy(
                bufs.at[g % _NBUF],
                out_hbm.at[row, pl.ds(col + g * _C, _C)], osem)
            nxt = g + _NBUF
            if nxt < _NCH:
                outs[g].wait()
                gathers[nxt] = pltpu.async_copy(
                    table_hbm.at[idx_v.at[pl.ds(nxt * _C, _C)]],
                    bufs.at[nxt % _NBUF], gsem)
        for g in range(_NCH - _NBUF, _NCH):
            outs[g].wait()

    return gather_kernel


_GATHER = _build()


def kernel(workpiece_idx, pos_encoding):
    return _GATHER(workpiece_idx.astype(jnp.int32), pos_encoding)

# --- scband reference (transcript-rebuilt; emitter-appended) ---
"""Pipeline reference for scband-positional-embedding-39917426049140 (READ-ONLY COPY).

The authoritative reference and input builder live on the scoring server;
editing this copy changes nothing except your own understanding.
"""

import jax, jax.numpy as jnp
import numpy as np


def positional_encoding(length, d_model):
    depth = d_model // 2
    positions = np.arange(length)[:, None].astype(np.float32)
    depths = (np.arange(depth)[None, :] / depth).astype(np.float32)
    angle_rates = 1.0 / (10000.0 ** depths)
    angle_rads = positions * angle_rates
    pe = np.concatenate([np.sin(angle_rads), np.cos(angle_rads)], axis=-1)
    return jnp.asarray(pe, dtype=jnp.float32)


def setup_inputs(seed: int = 0):
    key = jax.random.key(seed)
    workpiece_idx = jax.random.randint(key, (4, 2048), 0, 2048)
    pos_encoding = positional_encoding(2048, 1024)
    return {"workpiece_idx": workpiece_idx, "pos_encoding": pos_encoding}


def reference(workpiece_idx, pos_encoding):
    # tf.gather(self.pos_encoding, workpiece_idx) -> gather rows along axis 0
    return jnp.take(pos_encoding, workpiece_idx, axis=0)

if __name__ == "__main__":
    import jax
    _d = setup_inputs()
    print(jax.jit(kernel)(*tuple(_d.values())))

</pallas_src>

<mosaic_0001>
#map = affine_map<(d0, d1) -> (0, 0)>
#map1 = affine_map<(d0, d1) -> (0, 0, 0)>
module attributes {stable_mosaic.version = 14 : i64} {
  func.func @gather_kernel(%arg0: i32, %arg1: i32, %arg2: memref<4x2048xi32, #tpu.memory_space<hbm>>, %arg3: memref<2048x1024xf32, #tpu.memory_space<hbm>>, %arg4: memref<4x2048x1024xf32, #tpu.memory_space<hbm>>, %arg5: memref<256xi32, #tpu.memory_space<vmem>>, %arg6: memref<3x32x1024xf32, #tpu.memory_space<vmem>>, %arg7: memref<!tpu.dma_semaphore, #tpu.memory_space<semaphore_mem>>, %arg8: memref<!tpu.dma_semaphore, #tpu.memory_space<semaphore_mem>>) attributes {dimension_semantics = [#tpu.dimension_semantics<core_parallel>, #tpu.dimension_semantics<subcore_parallel>], iteration_bounds = array<i64: 2, 16>, scalar_prefetch = 0 : i64, scratch_operands = 4 : i64, tpu.core_type = #tpu.core_type<sc_vector_subcore>, window_params = [{transform_indices = #map}, {transform_indices = #map}, {transform_indices = #map1}]} {
    %mul3A = arith.constant 2 : i32
    %mul3A_0 = arith.muli %arg1, %mul3A : i32
    %add3A = arith.addi %mul3A_0, %arg0 : i32
    %jit3A = arith.constant 8 : i32
    %div3A = arith.divsi %add3A, %jit3A : i32
    %sign3A = arith.constant 0 : i32
    %sign3A_1 = arith.cmpi sgt, %add3A, %sign3A : i32
    %sign3A_2 = arith.extui %sign3A_1 : i1 to i32
    %sign3A_3 = arith.constant 0 : i32
    %sign3A_4 = arith.cmpi slt, %add3A, %sign3A_3 : i32
    %sign3A_5 = arith.extui %sign3A_4 : i1 to i32
    %sign3A_6 = arith.subi %sign3A_2, %sign3A_5 : i32
    %sign3A_7 = arith.constant 0 : i32
    %sign3A_8 = arith.cmpi sgt, %jit3A, %sign3A_7 : i32
    %sign3A_9 = arith.extui %sign3A_8 : i1 to i32
    %sign3A_10 = arith.constant 0 : i32
    %sign3A_11 = arith.cmpi slt, %jit3A, %sign3A_10 : i32
    %sign3A_12 = arith.extui %sign3A_11 : i1 to i32
    %sign3A_13 = arith.subi %sign3A_9, %sign3A_12 : i32
    %ne3A = arith.cmpi ne, %sign3A_6, %sign3A_13 : i32
    %rem3A = arith.remsi %add3A, %jit3A : i32
    %ne3A_14 = arith.constant 0 : i32
    %ne3A_15 = arith.cmpi ne, %rem3A, %ne3A_14 : i32
    %and3A = arith.andi %ne3A, %ne3A_15 : i1
    %sub3A = arith.constant 1 : i32
    %sub3A_16 = arith.subi %div3A, %sub3A : i32
    %select_n3A = arith.select %and3A, %sub3A_16, %div3A : i32
    %jit3A_17 = arith.constant 8 : i32
    %eq3A = arith.constant 0 : i32
    %eq3A_18 = arith.cmpi eq, %jit3A_17, %eq3A : i32
    %jit3A_19 = arith.constant 1 : i32
    %select_n3A_20 = arith.select %eq3A_18, %jit3A_19, %jit3A_17 : i32
    %rem3A_21 = arith.remsi %add3A, %select_n3A_20 : i32
    %ne3A_22 = arith.constant 0 : i32
    %ne3A_23 = arith.cmpi ne, %rem3A_21, %ne3A_22 : i32
    %lt3A = arith.constant 0 : i32
    %lt3A_24 = arith.cmpi slt, %rem3A_21, %lt3A : i32
    %lt3A_25 = arith.constant 0 : i32
    %lt3A_26 = arith.cmpi slt, %select_n3A_20, %lt3A_25 : i32
    %ne3A_27 = arith.xori %lt3A_24, %lt3A_26 : i1
    %and3A_28 = arith.andi %ne3A_27, %ne3A_23 : i1
    %add3A_29 = arith.addi %rem3A_21, %select_n3A_20 : i32
    %select_n3A_30 = arith.select %and3A_28, %add3A_29, %rem3A_21 : i32
    %mul3A_31 = arith.constant 256 : i32
    %mul3A_32 = arith.muli %select_n3A_30, %mul3A_31 : i32
    "tpu.region"() ({
      %run_scoped3A = tpu.sem_alloc : memref<!tpu.dma_semaphore, #tpu.memory_space<semaphore_mem>>
      %dma_start3A_447 = tpu.memref_slice %arg2[%select_n3A, %mul3A_32] : memref<4x2048xi32, #tpu.memory_space<hbm>> -> memref<1x256xi32, #tpu.memory_space<hbm>>
      %dma_start3A_448 = tpu.memref_squeeze %dma_start3A_447 : memref<1x256xi32, #tpu.memory_space<hbm>> -> memref<256xi32, #tpu.memory_space<hbm>>
      %dma_start3A_449 = tpu.memref_slice %arg2[%select_n3A, %mul3A_32] : memref<4x2048xi32, #tpu.memory_space<hbm>> -> memref<1x256xi32, #tpu.memory_space<hbm>>
      %dma_start3A_450 = tpu.memref_squeeze %dma_start3A_449 : memref<1x256xi32, #tpu.memory_space<hbm>> -> memref<256xi32, #tpu.memory_space<hbm>>
      tpu.enqueue_dma source(%dma_start3A_450 : memref<256xi32, #tpu.memory_space<hbm>>) target(%arg5 : memref<256xi32, #tpu.memory_space<vmem>>) target_semaphore(%run_scoped3A : memref<!tpu.dma_semaphore, #tpu.memory_space<semaphore_mem>>)
      %dma_wait3A_451 = tpu.memref_slice %arg2[%select_n3A, %mul3A_32] : memref<4x2048xi32, #tpu.memory_space<hbm>> -> memref<1x256xi32, #tpu.memory_space<hbm>>
      %dma_wait3A_452 = tpu.memref_squeeze %dma_wait3A_451 : memref<1x256xi32, #tpu.memory_space<hbm>> -> memref<256xi32, #tpu.memory_space<hbm>>
      %dma_wait3A_453 = tpu.memref_slice %arg2[%select_n3A, %mul3A_32] : memref<4x2048xi32, #tpu.memory_space<hbm>> -> memref<1x256xi32, #tpu.memory_space<hbm>>
      %dma_wait3A_454 = tpu.memref_squeeze %dma_wait3A_453 : memref<1x256xi32, #tpu.memory_space<hbm>> -> memref<256xi32, #tpu.memory_space<hbm>>
      tpu.wait_dma2 semaphore(%run_scoped3A : memref<!tpu.dma_semaphore, #tpu.memory_space<semaphore_mem>>) src(%dma_wait3A_454 : memref<256xi32, #tpu.memory_space<hbm>>) dst(%arg5 : memref<256xi32, #tpu.memory_space<vmem>>)
      tpu.yield
    }) : () -> ()
    %dma_start3A = arith.constant 0 : i32
    %dma_start3A_33 = arith.constant 0 : i32
    %dma_start3A_34 = arith.constant 0 : i32
    %dma_start3A_35 = tpu.memref_slice %arg6[%dma_start3A, %dma_start3A_33, %dma_start3A_34] : memref<3x32x1024xf32, #tpu.memory_space<vmem>> -> memref<1x32x1024xf32, #tpu.memory_space<vmem>>
    %dma_start3A_36 = tpu.memref_squeeze %dma_start3A_35 : memref<1x32x1024xf32, #tpu.memory_space<vmem>> -> memref<32x1024xf32, #tpu.memory_space<vmem>>
    %dma_start3A_37 = arith.constant 0 : i32
    %dma_start3A_38 = tpu.memref_slice %arg5[%dma_start3A_37] : memref<256xi32, #tpu.memory_space<vmem>> -> memref<32xi32, #tpu.memory_space<vmem>>
    %dma_start3A_39 = arith.constant 0 : i32
    %dma_start3A_40 = arith.constant 0 : i32
    %dma_start3A_41 = tpu.memref_slice %arg3[%dma_start3A_39, %dma_start3A_40] : memref<2048x1024xf32, #tpu.memory_space<hbm>> -> memref<2048x1024xf32, #tpu.memory_space<hbm>>
    tpu.enqueue_indirect_dma source(%dma_start3A_41 : memref<2048x1024xf32, #tpu.memory_space<hbm>>) target(%dma_start3A_36 : memref<32x1024xf32, #tpu.memory_space<vmem>>) offsets(%dma_start3A_38 : memref<32xi32, #tpu.memory_space<vmem>>) semaphore(%arg7 : memref<!tpu.dma_semaphore, #tpu.memory_space<semaphore_mem>>)
    %dma_start3A_42 = arith.constant 1 : i32
    %dma_start3A_43 = arith.constant 0 : i32
    %dma_start3A_44 = arith.constant 0 : i32
    %dma_start3A_45 = tpu.memref_slice %arg6[%dma_start3A_42, %dma_start3A_43, %dma_start3A_44] : memref<3x32x1024xf32, #tpu.memory_space<vmem>> -> memref<1x32x1024xf32, #tpu.memory_space<vmem>>
    %dma_start3A_46 = tpu.memref_squeeze %dma_start3A_45 : memref<1x32x1024xf32, #tpu.memory_space<vmem>> -> memref<32x1024xf32, #tpu.memory_space<vmem>>
    %dma_start3A_47 = arith.constant 32 : i32
    %dma_start3A_48 = tpu.memref_slice %arg5[%dma_start3A_47] : memref<256xi32, #tpu.memory_space<vmem>> -> memref<32xi32, #tpu.memory_space<vmem>>
    %dma_start3A_49 = arith.constant 0 : i32
    %dma_start3A_50 = arith.constant 0 : i32
    %dma_start3A_51 = tpu.memref_slice %arg3[%dma_start3A_49, %dma_start3A_50] : memref<2048x1024xf32, #tpu.memory_space<hbm>> -> memref<2048x1024xf32, #tpu.memory_space<hbm>>
    tpu.enqueue_indirect_dma source(%dma_start3A_51 : memref<2048x1024xf32, #tpu.memory_space<hbm>>) target(%dma_start3A_46 : memref<32x1024xf32, #tpu.memory_space<vmem>>) offsets(%dma_start3A_48 : memref<32xi32, #tpu.memory_space<vmem>>) semaphore(%arg7 : memref<!tpu.dma_semaphore, #tpu.memory_space<semaphore_mem>>)
    %dma_start3A_52 = arith.constant 2 : i32
    %dma_start3A_53 = arith.constant 0 : i32
    %dma_start3A_54 = arith.constant 0 : i32
    %dma_start3A_55 = tpu.memref_slice %arg6[%dma_start3A_52, %dma_start3A_53, %dma_start3A_54] : memref<3x32x1024xf32, #tpu.memory_space<vmem>> -> memref<1x32x1024xf32, #tpu.memory_space<vmem>>
    %dma_start3A_56 = tpu.memref_squeeze %dma_start3A_55 : memref<1x32x1024xf32, #tpu.memory_space<vmem>> -> memref<32x1024xf32, #tpu.memory_space<vmem>>
    %dma_start3A_57 = arith.constant 64 : i32
    %dma_start3A_58 = tpu.memref_slice %arg5[%dma_start3A_57] : memref<256xi32, #tpu.memory_space<vmem>> -> memref<32xi32, #tpu.memory_space<vmem>>
    %dma_start3A_59 = arith.constant 0 : i32
    %dma_start3A_60 = arith.constant 0 : i32
    %dma_start3A_61 = tpu.memref_slice %arg3[%dma_start3A_59, %dma_start3A_60] : memref<2048x1024xf32, #tpu.memory_space<hbm>> -> memref<2048x1024xf32, #tpu.memory_space<hbm>>
    tpu.enqueue_indirect_dma source(%dma_start3A_61 : memref<2048x1024xf32, #tpu.memory_space<hbm>>) target(%dma_start3A_56 : memref<32x1024xf32, #tpu.memory_space<vmem>>) offsets(%dma_start3A_58 : memref<32xi32, #tpu.memory_space<vmem>>) semaphore(%arg7 : memref<!tpu.dma_semaphore, #tpu.memory_space<semaphore_mem>>)
    %dma_wait3A = arith.constant 0 : i32
    %dma_wait3A_62 = arith.constant 0 : i32
    %dma_wait3A_63 = arith.constant 0 : i32
    %dma_wait3A_64 = tpu.memref_slice %arg6[%dma_wait3A, %dma_wait3A_62, %dma_wait3A_63] : memref<3x32x1024xf32, #tpu.memory_space<vmem>> -> memref<1x32x1024xf32, #tpu.memory_space<vmem>>
    %dma_wait3A_65 = tpu.memref_squeeze %dma_wait3A_64 : memref<1x32x1024xf32, #tpu.memory_space<vmem>> -> memref<32x1024xf32, #tpu.memory_space<vmem>>
    %dma_wait3A_66 = arith.constant 0 : i32
    %dma_wait3A_67 = tpu.memref_slice %arg5[%dma_wait3A_66] : memref<256xi32, #tpu.memory_space<vmem>> -> memref<32xi32, #tpu.memory_space<vmem>>
    %dma_wait3A_68 = arith.constant 0 : i32
    %dma_wait3A_69 = arith.constant 0 : i32
    %dma_wait3A_70 = tpu.memref_slice %arg3[%dma_wait3A_68, %dma_wait3A_69] : memref<2048x1024xf32, #tpu.memory_space<hbm>> -> memref<2048x1024xf32, #tpu.memory_space<hbm>>
    tpu.wait_indirect_dma semaphore(%arg7 : memref<!tpu.dma_semaphore, #tpu.memory_space<semaphore_mem>>) src(%dma_wait3A_70 : memref<2048x1024xf32, #tpu.memory_space<hbm>>) dst(%dma_wait3A_65 : memref<32x1024xf32, #tpu.memory_space<vmem>>)
    %add3A_71 = arith.constant 0 : i32
    %add3A_72 = arith.addi %mul3A_32, %add3A_71 : i32
    %dma_start3A_73 = arith.constant 0 : i32
    %dma_start3A_74 = arith.constant 0 : i32
    %dma_start3A_75 = arith.constant 0 : i32
    %dma_start3A_76 = tpu.memref_slice %arg6[%dma_start3A_73, %dma_start3A_74, %dma_start3A_75] : memref<3x32x1024xf32, #tpu.memory_space<vmem>> -> memref<1x32x1024xf32, #tpu.memory_space<vmem>>
    %dma_start3A_77 = tpu.memref_squeeze %dma_start3A_76 : memref<1x32x1024xf32, #tpu.memory_space<vmem>> -> memref<32x1024xf32, #tpu.memory_space<vmem>>
    %dma_start3A_78 = arith.constant 0 : i32
    %dma_start3A_79 = tpu.memref_slice %arg4[%select_n3A, %add3A_72, %dma_start3A_78] : memref<4x2048x1024xf32, #tpu.memory_space<hbm>> -> memref<1x32x1024xf32, #tpu.memory_space<hbm>>
    %dma_start3A_80 = tpu.memref_squeeze %dma_start3A_79 : memref<1x32x1024xf32, #tpu.memory_space<hbm>> -> memref<32x1024xf32, #tpu.memory_space<hbm>>
    %dma_start3A_81 = arith.constant 0 : i32
    %dma_start3A_82 = tpu.memref_slice %arg4[%select_n3A, %add3A_72, %dma_start3A_81] : memref<4x2048x1024xf32, #tpu.memory_space<hbm>> -> memref<1x32x1024xf32, #tpu.memory_space<hbm>>
    %dma_start3A_83 = tpu.memref_squeeze %dma_start3A_82 : memref<1x32x1024xf32, #tpu.memory_space<hbm>> -> memref<32x1024xf32, #tpu.memory_space<hbm>>
    %dma_start3A_84 = arith.constant 0 : i32
    %dma_start3A_85 = arith.constant 0 : i32
    %dma_start3A_86 = tpu.memref_slice %arg6[%dma_start3A_73, %dma_start3A_84, %dma_start3A_85] : memref<3x32x1024xf32, #tpu.memory_space<vmem>> -> memref<1x32x1024xf32, #tpu.memory_space<vmem>>
    %dma_start3A_87 = tpu.memref_squeeze %dma_start3A_86 : memref<1x32x1024xf32, #tpu.memory_space<vmem>> -> memref<32x1024xf32, #tpu.memory_space<vmem>>
    tpu.enqueue_dma source(%dma_start3A_87 : memref<32x1024xf32, #tpu.memory_space<vmem>>) target(%dma_start3A_83 : memref<32x1024xf32, #tpu.memory_space<hbm>>) target_semaphore(%arg8 : memref<!tpu.dma_semaphore, #tpu.memory_space<semaphore_mem>>)
    %dma_wait3A_88 = arith.constant 0 : i32
    %dma_wait3A_89 = arith.constant 0 : i32
    %dma_wait3A_90 = arith.constant 0 : i32
    %dma_wait3A_91 = tpu.memref_slice %arg6[%dma_wait3A_88, %dma_wait3A_89, %dma_wait3A_90] : memref<3x32x1024xf32, #tpu.memory_space<vmem>> -> memref<1x32x1024xf32, #tpu.memory_space<vmem>>
    %dma_wait3A_92 = tpu.memref_squeeze %dma_wait3A_91 : memref<1x32x1024xf32, #tpu.memory_space<vmem>> -> memref<32x1024xf32, #tpu.memory_space<vmem>>
    %dma_wait3A_93 = arith.constant 0 : i32
    %dma_wait3A_94 = tpu.memref_slice %arg4[%select_n3A, %add3A_72, %dma_wait3A_93] : memref<4x2048x1024xf32, #tpu.memory_space<hbm>> -> memref<1x32x1024xf32, #tpu.memory_space<hbm>>
    %dma_wait3A_95 = tpu.memref_squeeze %dma_wait3A_94 : memref<1x32x1024xf32, #tpu.memory_space<hbm>> -> memref<32x1024xf32, #tpu.memory_space<hbm>>
    %dma_wait3A_96 = arith.constant 0 : i32
    %dma_wait3A_97 = tpu.memref_slice %arg4[%select_n3A, %add3A_72, %dma_wait3A_96] : memref<4x2048x1024xf32, #tpu.memory_space<hbm>> -> memref<1x32x1024xf32, #tpu.memory_space<hbm>>
    %dma_wait3A_98 = tpu.memref_squeeze %dma_wait3A_97 : memref<1x32x1024xf32, #tpu.memory_space<hbm>> -> memref<32x1024xf32, #tpu.memory_space<hbm>>
    %dma_wait3A_99 = arith.constant 0 : i32
    %dma_wait3A_100 = arith.constant 0 : i32
    %dma_wait3A_101 = tpu.memref_slice %arg6[%dma_wait3A_88, %dma_wait3A_99, %dma_wait3A_100] : memref<3x32x1024xf32, #tpu.memory_space<vmem>> -> memref<1x32x1024xf32, #tpu.memory_space<vmem>>
    %dma_wait3A_102 = tpu.memref_squeeze %dma_wait3A_101 : memref<1x32x1024xf32, #tpu.memory_space<vmem>> -> memref<32x1024xf32, #tpu.memory_space<vmem>>
    tpu.wait_dma2 semaphore(%arg8 : memref<!tpu.dma_semaphore, #tpu.memory_space<semaphore_mem>>) src(%dma_wait3A_102 : memref<32x1024xf32, #tpu.memory_space<vmem>>) dst(%dma_wait3A_98 : memref<32x1024xf32, #tpu.memory_space<hbm>>)
    %dma_start3A_103 = arith.constant 0 : i32
    %dma_start3A_104 = arith.constant 0 : i32
    %dma_start3A_105 = arith.constant 0 : i32
    %dma_start3A_106 = tpu.memref_slice %arg6[%dma_start3A_103, %dma_start3A_104, %dma_start3A_105] : memref<3x32x1024xf32, #tpu.memory_space<vmem>> -> memref<1x32x1024xf32, #tpu.memory_space<vmem>>
    %dma_start3A_107 = tpu.memref_squeeze %dma_start3A_106 : memref<1x32x1024xf32, #tpu.memory_space<vmem>> -> memref<32x1024xf32, #tpu.memory_space<vmem>>
    %dma_start3A_108 = arith.constant 96 : i32
    %dma_start3A_109 = tpu.memref_slice %arg5[%dma_start3A_108] : memref<256xi32, #tpu.memory_space<vmem>> -> memref<32xi32, #tpu.memory_space<vmem>>
    %dma_start3A_110 = arith.constant 0 : i32
    %dma_start3A_111 = arith.constant 0 : i32
    %dma_start3A_112 = tpu.memref_slice %arg3[%dma_start3A_110, %dma_start3A_111] : memref<2048x1024xf32, #tpu.memory_space<hbm>> -> memref<2048x1024xf32, #tpu.memory_space<hbm>>
    tpu.enqueue_indirect_dma source(%dma_start3A_112 : memref<2048x1024xf32, #tpu.memory_space<hbm>>) target(%dma_start3A_107 : memref<32x1024xf32, #tpu.memory_space<vmem>>) offsets(%dma_start3A_109 : memref<32xi32, #tpu.memory_space<vmem>>) semaphore(%arg7 : memref<!tpu.dma_semaphore, #tpu.memory_space<semaphore_mem>>)
    %dma_wait3A_113 = arith.constant 1 : i32
    %dma_wait3A_114 = arith.constant 0 : i32
    %dma_wait3A_115 = arith.constant 0 : i32
    %dma_wait3A_116 = tpu.memref_slice %arg6[%dma_wait3A_113, %dma_wait3A_114, %dma_wait3A_115] : memref<3x32x1024xf32, #tpu.memory_space<vmem>> -> memref<1x32x1024xf32, #tpu.memory_space<vmem>>
    %dma_wait3A_117 = tpu.memref_squeeze %dma_wait3A_116 : memref<1x32x1024xf32, #tpu.memory_space<vmem>> -> memref<32x1024xf32, #tpu.memory_space<vmem>>
    %dma_wait3A_118 = arith.constant 32 : i32
    %dma_wait3A_119 = tpu.memref_slice %arg5[%dma_wait3A_118] : memref<256xi32, #tpu.memory_space<vmem>> -> memref<32xi32, #tpu.memory_space<vmem>>
    %dma_wait3A_120 = arith.constant 0 : i32
    %dma_wait3A_121 = arith.constant 0 : i32
    %dma_wait3A_122 = tpu.memref_slice %arg3[%dma_wait3A_120, %dma_wait3A_121] : memref<2048x1024xf32, #tpu.memory_space<hbm>> -> memref<2048x1024xf32, #tpu.memory_space<hbm>>
    tpu.wait_indirect_dma semaphore(%arg7 : memref<!tpu.dma_semaphore, #tpu.memory_space<semaphore_mem>>) src(%dma_wait3A_122 : memref<2048x1024xf32, #tpu.memory_space<hbm>>) dst(%dma_wait3A_117 : memref<32x1024xf32, #tpu.memory_space<vmem>>)
    %add3A_123 = arith.constant 32 : i32
    %add3A_124 = arith.addi %mul3A_32, %add3A_123 : i32
    %dma_start3A_125 = arith.constant 1 : i32
    %dma_start3A_126 = arith.constant 0 : i32
    %dma_start3A_127 = arith.constant 0 : i32
    %dma_start3A_128 = tpu.memref_slice %arg6[%dma_start3A_125, %dma_start3A_126, %dma_start3A_127] : memref<3x32x1024xf32, #tpu.memory_space<vmem>> -> memref<1x32x1024xf32, #tpu.memory_space<vmem>>
    %dma_start3A_129 = tpu.memref_squeeze %dma_start3A_128 : memref<1x32x1024xf32, #tpu.memory_space<vmem>> -> memref<32x1024xf32, #tpu.memory_space<vmem>>
    %dma_start3A_130 = arith.constant 0 : i32
    %dma_start3A_131 = tpu.memref_slice %arg4[%select_n3A, %add3A_124, %dma_start3A_130] : memref<4x2048x1024xf32, #tpu.memory_space<hbm>> -> memref<1x32x1024xf32, #tpu.memory_space<hbm>>
    %dma_start3A_132 = tpu.memref_squeeze %dma_start3A_131 : memref<1x32x1024xf32, #tpu.memory_space<hbm>> -> memref<32x1024xf32, #tpu.memory_space<hbm>>
    %dma_start3A_133 = arith.constant 0 : i32
    %dma_start3A_134 = tpu.memref_slice %arg4[%select_n3A, %add3A_124, %dma_start3A_133] : memref<4x2048x1024xf32, #tpu.memory_space<hbm>> -> memref<1x32x1024xf32, #tpu.memory_space<hbm>>
    %dma_start3A_135 = tpu.memref_squeeze %dma_start3A_134 : memref<1x32x1024xf32, #tpu.memory_space<hbm>> -> memref<32x1024xf32, #tpu.memory_space<hbm>>
    %dma_start3A_136 = arith.constant 0 : i32
    %dma_start3A_137 = arith.constant 0 : i32
    %dma_start3A_138 = tpu.memref_slice %arg6[%dma_start3A_125, %dma_start3A_136, %dma_start3A_137] : memref<3x32x1024xf32, #tpu.memory_space<vmem>> -> memref<1x32x1024xf32, #tpu.memory_space<vmem>>
    %dma_start3A_139 = tpu.memref_squeeze %dma_start3A_138 : memref<1x32x1024xf32, #tpu.memory_space<vmem>> -> memref<32x1024xf32, #tpu.memory_space<vmem>>
    tpu.enqueue_dma source(%dma_start3A_139 : memref<32x1024xf32, #tpu.memory_space<vmem>>) target(%dma_start3A_135 : memref<32x1024xf32, #tpu.memory_space<hbm>>) target_semaphore(%arg8 : memref<!tpu.dma_semaphore, #tpu.memory_space<semaphore_mem>>)
    %dma_wait3A_140 = arith.constant 1 : i32
    %dma_wait3A_141 = arith.constant 0 : i32
    %dma_wait3A_142 = arith.constant 0 : i32
    %dma_wait3A_143 = tpu.memref_slice %arg6[%dma_wait3A_140, %dma_wait3A_141, %dma_wait3A_142] : memref<3x32x1024xf32, #tpu.memory_space<vmem>> -> memref<1x32x1024xf32, #tpu.memory_space<vmem>>
    %dma_wait3A_144 = tpu.memref_squeeze %dma_wait3A_143 : memref<1x32x1024xf32, #tpu.memory_space<vmem>> -> memref<32x1024xf32, #tpu.memory_space<vmem>>
    %dma_wait3A_145 = arith.constant 0 : i32
    %dma_wait3A_146 = tpu.memref_slice %arg4[%select_n3A, %add3A_124, %dma_wait3A_145] : memref<4x2048x1024xf32, #tpu.memory_space<hbm>> -> memref<1x32x1024xf32, #tpu.memory_space<hbm>>
    %dma_wait3A_147 = tpu.memref_squeeze %dma_wait3A_146 : memref<1x32x1024xf32, #tpu.memory_space<hbm>> -> memref<32x1024xf32, #tpu.memory_space<hbm>>
    %dma_wait3A_148 = arith.constant 0 : i32
    %dma_wait3A_149 = tpu.memref_slice %arg4[%select_n3A, %add3A_124, %dma_wait3A_148] : memref<4x2048x1024xf32, #tpu.memory_space<hbm>> -> memref<1x32x1024xf32, #tpu.memory_space<hbm>>
    %dma_wait3A_150 = tpu.memref_squeeze %dma_wait3A_149 : memref<1x32x1024xf32, #tpu.memory_space<hbm>> -> memref<32x1024xf32, #tpu.memory_space<hbm>>
    %dma_wait3A_151 = arith.constant 0 : i32
    %dma_wait3A_152 = arith.constant 0 : i32
    %dma_wait3A_153 = tpu.memref_slice %arg6[%dma_wait3A_140, %dma_wait3A_151, %dma_wait3A_152] : memref<3x32x1024xf32, #tpu.memory_space<vmem>> -> memref<1x32x1024xf32, #tpu.memory_space<vmem>>
    %dma_wait3A_154 = tpu.memref_squeeze %dma_wait3A_153 : memref<1x32x1024xf32, #tpu.memory_space<vmem>> -> memref<32x1024xf32, #tpu.memory_space<vmem>>
    tpu.wait_dma2 semaphore(%arg8 : memref<!tpu.dma_semaphore, #tpu.memory_space<semaphore_mem>>) src(%dma_wait3A_154 : memref<32x1024xf32, #tpu.memory_space<vmem>>) dst(%dma_wait3A_150 : memref<32x1024xf32, #tpu.memory_space<hbm>>)
    %dma_start3A_155 = arith.constant 1 : i32
    %dma_start3A_156 = arith.constant 0 : i32
    %dma_start3A_157 = arith.constant 0 : i32
    %dma_start3A_158 = tpu.memref_slice %arg6[%dma_start3A_155, %dma_start3A_156, %dma_start3A_157] : memref<3x32x1024xf32, #tpu.memory_space<vmem>> -> memref<1x32x1024xf32, #tpu.memory_space<vmem>>
    %dma_start3A_159 = tpu.memref_squeeze %dma_start3A_158 : memref<1x32x1024xf32, #tpu.memory_space<vmem>> -> memref<32x1024xf32, #tpu.memory_space<vmem>>
    %dma_start3A_160 = arith.constant 128 : i32
    %dma_start3A_161 = tpu.memref_slice %arg5[%dma_start3A_160] : memref<256xi32, #tpu.memory_space<vmem>> -> memref<32xi32, #tpu.memory_space<vmem>>
    %dma_start3A_162 = arith.constant 0 : i32
    %dma_start3A_163 = arith.constant 0 : i32
    %dma_start3A_164 = tpu.memref_slice %arg3[%dma_start3A_162, %dma_start3A_163] : memref<2048x1024xf32, #tpu.memory_space<hbm>> -> memref<2048x1024xf32, #tpu.memory_space<hbm>>
    tpu.enqueue_indirect_dma source(%dma_start3A_164 : memref<2048x1024xf32, #tpu.memory_space<hbm>>) target(%dma_start3A_159 : memref<32x1024xf32, #tpu.memory_space<vmem>>) offsets(%dma_start3A_161 : memref<32xi32, #tpu.memory_space<vmem>>) semaphore(%arg7 : memref<!tpu.dma_semaphore, #tpu.memory_space<semaphore_mem>>)
    %dma_wait3A_165 = arith.constant 2 : i32
    %dma_wait3A_166 = arith.constant 0 : i32
    %dma_wait3A_167 = arith.constant 0 : i32
    %dma_wait3A_168 = tpu.memref_slice %arg6[%dma_wait3A_165, %dma_wait3A_166, %dma_wait3A_167] : memref<3x32x1024xf32, #tpu.memory_space<vmem>> -> memref<1x32x1024xf32, #tpu.memory_space<vmem>>
    %dma_wait3A_169 = tpu.memref_squeeze %dma_wait3A_168 : memref<1x32x1024xf32, #tpu.memory_space<vmem>> -> memref<32x1024xf32, #tpu.memory_space<vmem>>
    %dma_wait3A_170 = arith.constant 64 : i32
    %dma_wait3A_171 = tpu.memref_slice %arg5[%dma_wait3A_170] : memref<256xi32, #tpu.memory_space<vmem>> -> memref<32xi32, #tpu.memory_space<vmem>>
    %dma_wait3A_172 = arith.constant 0 : i32
    %dma_wait3A_173 = arith.constant 0 : i32
    %dma_wait3A_174 = tpu.memref_slice %arg3[%dma_wait3A_172, %dma_wait3A_173] : memref<2048x1024xf32, #tpu.memory_space<hbm>> -> memref<2048x1024xf32, #tpu.memory_space<hbm>>
    tpu.wait_indirect_dma semaphore(%arg7 : memref<!tpu.dma_semaphore, #tpu.memory_space<semaphore_mem>>) src(%dma_wait3A_174 : memref<2048x1024xf32, #tpu.memory_space<hbm>>) dst(%dma_wait3A_169 : memref<32x1024xf32, #tpu.memory_space<vmem>>)
    %add3A_175 = arith.constant 64 : i32
    %add3A_176 = arith.addi %mul3A_32, %add3A_175 : i32
    %dma_start3A_177 = arith.constant 2 : i32
    %dma_start3A_178 = arith.constant 0 : i32
    %dma_start3A_179 = arith.constant 0 : i32
    %dma_start3A_180 = tpu.memref_slice %arg6[%dma_start3A_177, %dma_start3A_178, %dma_start3A_179] : memref<3x32x1024xf32, #tpu.memory_space<vmem>> -> memref<1x32x1024xf32, #tpu.memory_space<vmem>>
    %dma_start3A_181 = tpu.memref_squeeze %dma_start3A_180 : memref<1x32x1024xf32, #tpu.memory_space<vmem>> -> memref<32x1024xf32, #tpu.memory_space<vmem>>
    %dma_start3A_182 = arith.constant 0 : i32
    %dma_start3A_183 = tpu.memref_slice %arg4[%select_n3A, %add3A_176, %dma_start3A_182] : memref<4x2048x1024xf32, #tpu.memory_space<hbm>> -> memref<1x32x1024xf32, #tpu.memory_space<hbm>>
    %dma_start3A_184 = tpu.memref_squeeze %dma_start3A_183 : memref<1x32x1024xf32, #tpu.memory_space<hbm>> -> memref<32x1024xf32, #tpu.memory_space<hbm>>
    %dma_start3A_185 = arith.constant 0 : i32
    %dma_start3A_186 = tpu.memref_slice %arg4[%select_n3A, %add3A_176, %dma_start3A_185] : memref<4x2048x1024xf32, #tpu.memory_space<hbm>> -> memref<1x32x1024xf32, #tpu.memory_space<hbm>>
    %dma_start3A_187 = tpu.memref_squeeze %dma_start3A_186 : memref<1x32x1024xf32, #tpu.memory_space<hbm>> -> memref<32x1024xf32, #tpu.memory_space<hbm>>
    %dma_start3A_188 = arith.constant 0 : i32
    %dma_start3A_189 = arith.constant 0 : i32
    %dma_start3A_190 = tpu.memref_slice %arg6[%dma_start3A_177, %dma_start3A_188, %dma_start3A_189] : memref<3x32x1024xf32, #tpu.memory_space<vmem>> -> memref<1x32x1024xf32, #tpu.memory_space<vmem>>
    %dma_start3A_191 = tpu.memref_squeeze %dma_start3A_190 : memref<1x32x1024xf32, #tpu.memory_space<vmem>> -> memref<32x1024xf32, #tpu.memory_space<vmem>>
    tpu.enqueue_dma source(%dma_start3A_191 : memref<32x1024xf32, #tpu.memory_space<vmem>>) target(%dma_start3A_187 : memref<32x1024xf32, #tpu.memory_space<hbm>>) target_semaphore(%arg8 : memref<!tpu.dma_semaphore, #tpu.memory_space<semaphore_mem>>)
    %dma_wait3A_192 = arith.constant 2 : i32
    %dma_wait3A_193 = arith.constant 0 : i32
    %dma_wait3A_194 = arith.constant 0 : i32
    %dma_wait3A_195 = tpu.memref_slice %arg6[%dma_wait3A_192, %dma_wait3A_193, %dma_wait3A_194] : memref<3x32x1024xf32, #tpu.memory_space<vmem>> -> memref<1x32x1024xf32, #tpu.memory_space<vmem>>
    %dma_wait3A_196 = tpu.memref_squeeze %dma_wait3A_195 : memref<1x32x1024xf32, #tpu.memory_space<vmem>> -> memref<32x1024xf32, #tpu.memory_space<vmem>>
    %dma_wait3A_197 = arith.constant 0 : i32
    %dma_wait3A_198 = tpu.memref_slice %arg4[%select_n3A, %add3A_176, %dma_wait3A_197] : memref<4x2048x1024xf32, #tpu.memory_space<hbm>> -> memref<1x32x1024xf32, #tpu.memory_space<hbm>>
    %dma_wait3A_199 = tpu.memref_squeeze %dma_wait3A_198 : memref<1x32x1024xf32, #tpu.memory_space<hbm>> -> memref<32x1024xf32, #tpu.memory_space<hbm>>
    %dma_wait3A_200 = arith.constant 0 : i32
    %dma_wait3A_201 = tpu.memref_slice %arg4[%select_n3A, %add3A_176, %dma_wait3A_200] : memref<4x2048x1024xf32, #tpu.memory_space<hbm>> -> memref<1x32x1024xf32, #tpu.memory_space<hbm>>
    %dma_wait3A_202 = tpu.memref_squeeze %dma_wait3A_201 : memref<1x32x1024xf32, #tpu.memory_space<hbm>> -> memref<32x1024xf32, #tpu.memory_space<hbm>>
    %dma_wait3A_203 = arith.constant 0 : i32
    %dma_wait3A_204 = arith.constant 0 : i32
    %dma_wait3A_205 = tpu.memref_slice %arg6[%dma_wait3A_192, %dma_wait3A_203, %dma_wait3A_204] : memref<3x32x1024xf32, #tpu.memory_space<vmem>> -> memref<1x32x1024xf32, #tpu.memory_space<vmem>>
    %dma_wait3A_206 = tpu.memref_squeeze %dma_wait3A_205 : memref<1x32x1024xf32, #tpu.memory_space<vmem>> -> memref<32x1024xf32, #tpu.memory_space<vmem>>
    tpu.wait_dma2 semaphore(%arg8 : memref<!tpu.dma_semaphore, #tpu.memory_space<semaphore_mem>>) src(%dma_wait3A_206 : memref<32x1024xf32, #tpu.memory_space<vmem>>) dst(%dma_wait3A_202 : memref<32x1024xf32, #tpu.memory_space<hbm>>)
    %dma_start3A_207 = arith.constant 2 : i32
    %dma_start3A_208 = arith.constant 0 : i32
    %dma_start3A_209 = arith.constant 0 : i32
    %dma_start3A_210 = tpu.memref_slice %arg6[%dma_start3A_207, %dma_start3A_208, %dma_start3A_209] : memref<3x32x1024xf32, #tpu.memory_space<vmem>> -> memref<1x32x1024xf32, #tpu.memory_space<vmem>>
    %dma_start3A_211 = tpu.memref_squeeze %dma_start3A_210 : memref<1x32x1024xf32, #tpu.memory_space<vmem>> -> memref<32x1024xf32, #tpu.memory_space<vmem>>
    %dma_start3A_212 = arith.constant 160 : i32
    %dma_start3A_213 = tpu.memref_slice %arg5[%dma_start3A_212] : memref<256xi32, #tpu.memory_space<vmem>> -> memref<32xi32, #tpu.memory_space<vmem>>
    %dma_start3A_214 = arith.constant 0 : i32
    %dma_start3A_215 = arith.constant 0 : i32
    %dma_start3A_216 = tpu.memref_slice %arg3[%dma_start3A_214, %dma_start3A_215] : memref<2048x1024xf32, #tpu.memory_space<hbm>> -> memref<2048x1024xf32, #tpu.memory_space<hbm>>
    tpu.enqueue_indirect_dma source(%dma_start3A_216 : memref<2048x1024xf32, #tpu.memory_space<hbm>>) target(%dma_start3A_211 : memref<32x1024xf32, #tpu.memory_space<vmem>>) offsets(%dma_start3A_213 : memref<32xi32, #tpu.memory_space<vmem>>) semaphore(%arg7 : memref<!tpu.dma_semaphore, #tpu.memory_space<semaphore_mem>>)
    %dma_wait3A_217 = arith.constant 0 : i32
    %dma_wait3A_218 = arith.constant 0 : i32
    %dma_wait3A_219 = arith.constant 0 : i32
    %dma_wait3A_220 = tpu.memref_slice %arg6[%dma_wait3A_217, %dma_wait3A_218, %dma_wait3A_219] : memref<3x32x1024xf32, #tpu.memory_space<vmem>> -> memref<1x32x1024xf32, #tpu.memory_space<vmem>>
    %dma_wait3A_221 = tpu.memref_squeeze %dma_wait3A_220 : memref<1x32x1024xf32, #tpu.memory_space<vmem>> -> memref<32x1024xf32, #tpu.memory_space<vmem>>
    %dma_wait3A_222 = arith.constant 96 : i32
    %dma_wait3A_223 = tpu.memref_slice %arg5[%dma_wait3A_222] : memref<256xi32, #tpu.memory_space<vmem>> -> memref<32xi32, #tpu.memory_space<vmem>>
    %dma_wait3A_224 = arith.constant 0 : i32
    %dma_wait3A_225 = arith.constant 0 : i32
    %dma_wait3A_226 = tpu.memref_slice %arg3[%dma_wait3A_224, %dma_wait3A_225] : memref<2048x1024xf32, #tpu.memory_space<hbm>> -> memref<2048x1024xf32, #tpu.memory_space<hbm>>
    tpu.wait_indirect_dma semaphore(%arg7 : memref<!tpu.dma_semaphore, #tpu.memory_space<semaphore_mem>>) src(%dma_wait3A_226 : memref<2048x1024xf32, #tpu.memory_space<hbm>>) dst(%dma_wait3A_221 : memref<32x1024xf32, #tpu.memory_space<vmem>>)
    %add3A_227 = arith.constant 96 : i32
    %add3A_228 = arith.addi %mul3A_32, %add3A_227 : i32
    %dma_start3A_229 = arith.constant 0 : i32
    %dma_start3A_230 = arith.constant 0 : i32
    %dma_start3A_231 = arith.constant 0 : i32
    %dma_start3A_232 = tpu.memref_slice %arg6[%dma_start3A_229, %dma_start3A_230, %dma_start3A_231] : memref<3x32x1024xf32, #tpu.memory_space<vmem>> -> memref<1x32x1024xf32, #tpu.memory_space<vmem>>
    %dma_start3A_233 = tpu.memref_squeeze %dma_start3A_232 : memref<1x32x1024xf32, #tpu.memory_space<vmem>> -> memref<32x1024xf32, #tpu.memory_space<vmem>>
    %dma_start3A_234 = arith.constant 0 : i32
    %dma_start3A_235 = tpu.memref_slice %arg4[%select_n3A, %add3A_228, %dma_start3A_234] : memref<4x2048x1024xf32, #tpu.memory_space<hbm>> -> memref<1x32x1024xf32, #tpu.memory_space<hbm>>
    %dma_start3A_236 = tpu.memref_squeeze %dma_start3A_235 : memref<1x32x1024xf32, #tpu.memory_space<hbm>> -> memref<32x1024xf32, #tpu.memory_space<hbm>>
    %dma_start3A_237 = arith.constant 0 : i32
    %dma_start3A_238 = tpu.memref_slice %arg4[%select_n3A, %add3A_228, %dma_start3A_237] : memref<4x2048x1024xf32, #tpu.memory_space<hbm>> -> memref<1x32x1024xf32, #tpu.memory_space<hbm>>
    %dma_start3A_239 = tpu.memref_squeeze %dma_start3A_238 : memref<1x32x1024xf32, #tpu.memory_space<hbm>> -> memref<32x1024xf32, #tpu.memory_space<hbm>>
    %dma_start3A_240 = arith.constant 0 : i32
    %dma_start3A_241 = arith.constant 0 : i32
    %dma_start3A_242 = tpu.memref_slice %arg6[%dma_start3A_229, %dma_start3A_240, %dma_start3A_241] : memref<3x32x1024xf32, #tpu.memory_space<vmem>> -> memref<1x32x1024xf32, #tpu.memory_space<vmem>>
    %dma_start3A_243 = tpu.memref_squeeze %dma_start3A_242 : memref<1x32x1024xf32, #tpu.memory_space<vmem>> -> memref<32x1024xf32, #tpu.memory_space<vmem>>
    tpu.enqueue_dma source(%dma_start3A_243 : memref<32x1024xf32, #tpu.memory_space<vmem>>) target(%dma_start3A_239 : memref<32x1024xf32, #tpu.memory_space<hbm>>) target_semaphore(%arg8 : memref<!tpu.dma_semaphore, #tpu.memory_space<semaphore_mem>>)
    %dma_wait3A_244 = arith.constant 0 : i32
    %dma_wait3A_245 = arith.constant 0 : i32
    %dma_wait3A_246 = arith.constant 0 : i32
    %dma_wait3A_247 = tpu.memref_slice %arg6[%dma_wait3A_244, %dma_wait3A_245, %dma_wait3A_246] : memref<3x32x1024xf32, #tpu.memory_space<vmem>> -> memref<1x32x1024xf32, #tpu.memory_space<vmem>>
    %dma_wait3A_248 = tpu.memref_squeeze %dma_wait3A_247 : memref<1x32x1024xf32, #tpu.memory_space<vmem>> -> memref<32x1024xf32, #tpu.memory_space<vmem>>
    %dma_wait3A_249 = arith.constant 0 : i32
    %dma_wait3A_250 = tpu.memref_slice %arg4[%select_n3A, %add3A_228, %dma_wait3A_249] : memref<4x2048x1024xf32, #tpu.memory_space<hbm>> -> memref<1x32x1024xf32, #tpu.memory_space<hbm>>
    %dma_wait3A_251 = tpu.memref_squeeze %dma_wait3A_250 : memref<1x32x1024xf32, #tpu.memory_space<hbm>> -> memref<32x1024xf32, #tpu.memory_space<hbm>>
    %dma_wait3A_252 = arith.constant 0 : i32
    %dma_wait3A_253 = tpu.memref_slice %arg4[%select_n3A, %add3A_228, %dma_wait3A_252] : memref<4x2048x1024xf32, #tpu.memory_space<hbm>> -> memref<1x32x1024xf32, #tpu.memory_space<hbm>>
    %dma_wait3A_254 = tpu.memref_squeeze %dma_wait3A_253 : memref<1x32x1024xf32, #tpu.memory_space<hbm>> -> memref<32x1024xf32, #tpu.memory_space<hbm>>
    %dma_wait3A_255 = arith.constant 0 : i32
    %dma_wait3A_256 = arith.constant 0 : i32
    %dma_wait3A_257 = tpu.memref_slice %arg6[%dma_wait3A_244, %dma_wait3A_255, %dma_wait3A_256] : memref<3x32x1024xf32, #tpu.memory_space<vmem>> -> memref<1x32x1024xf32, #tpu.memory_space<vmem>>
    %dma_wait3A_258 = tpu.memref_squeeze %dma_wait3A_257 : memref<1x32x1024xf32, #tpu.memory_space<vmem>> -> memref<32x1024xf32, #tpu.memory_space<vmem>>
    tpu.wait_dma2 semaphore(%arg8 : memref<!tpu.dma_semaphore, #tpu.memory_space<semaphore_mem>>) src(%dma_wait3A_258 : memref<32x1024xf32, #tpu.memory_space<vmem>>) dst(%dma_wait3A_254 : memref<32x1024xf32, #tpu.memory_space<hbm>>)
    %dma_start3A_259 = arith.constant 0 : i32
    %dma_start3A_260 = arith.constant 0 : i32
    %dma_start3A_261 = arith.constant 0 : i32
    %dma_start3A_262 = tpu.memref_slice %arg6[%dma_start3A_259, %dma_start3A_260, %dma_start3A_261] : memref<3x32x1024xf32, #tpu.memory_space<vmem>> -> memref<1x32x1024xf32, #tpu.memory_space<vmem>>
    %dma_start3A_263 = tpu.memref_squeeze %dma_start3A_262 : memref<1x32x1024xf32, #tpu.memory_space<vmem>> -> memref<32x1024xf32, #tpu.memory_space<vmem>>
    %dma_start3A_264 = arith.constant 192 : i32
    %dma_start3A_265 = tpu.memref_slice %arg5[%dma_start3A_264] : memref<256xi32, #tpu.memory_space<vmem>> -> memref<32xi32, #tpu.memory_space<vmem>>
    %dma_start3A_266 = arith.constant 0 : i32
    %dma_start3A_267 = arith.constant 0 : i32
    %dma_start3A_268 = tpu.memref_slice %arg3[%dma_start3A_266, %dma_start3A_267] : memref<2048x1024xf32, #tpu.memory_space<hbm>> -> memref<2048x1024xf32, #tpu.memory_space<hbm>>
    tpu.enqueue_indirect_dma source(%dma_start3A_268 : memref<2048x1024xf32, #tpu.memory_space<hbm>>) target(%dma_start3A_263 : memref<32x1024xf32, #tpu.memory_space<vmem>>) offsets(%dma_start3A_265 : memref<32xi32, #tpu.memory_space<vmem>>) semaphore(%arg7 : memref<!tpu.dma_semaphore, #tpu.memory_space<semaphore_mem>>)
    %dma_wait3A_269 = arith.constant 1 : i32
    %dma_wait3A_270 = arith.constant 0 : i32
    %dma_wait3A_271 = arith.constant 0 : i32
    %dma_wait3A_272 = tpu.memref_slice %arg6[%dma_wait3A_269, %dma_wait3A_270, %dma_wait3A_271] : memref<3x32x1024xf32, #tpu.memory_space<vmem>> -> memref<1x32x1024xf32, #tpu.memory_space<vmem>>
    %dma_wait3A_273 = tpu.memref_squeeze %dma_wait3A_272 : memref<1x32x1024xf32, #tpu.memory_space<vmem>> -> memref<32x1024xf32, #tpu.memory_space<vmem>>
    %dma_wait3A_274 = arith.constant 128 : i32
    %dma_wait3A_275 = tpu.memref_slice %arg5[%dma_wait3A_274] : memref<256xi32, #tpu.memory_space<vmem>> -> memref<32xi32, #tpu.memory_space<vmem>>
    %dma_wait3A_276 = arith.constant 0 : i32
    %dma_wait3A_277 = arith.constant 0 : i32
    %dma_wait3A_278 = tpu.memref_slice %arg3[%dma_wait3A_276, %dma_wait3A_277] : memref<2048x1024xf32, #tpu.memory_space<hbm>> -> memref<2048x1024xf32, #tpu.memory_space<hbm>>
    tpu.wait_indirect_dma semaphore(%arg7 : memref<!tpu.dma_semaphore, #tpu.memory_space<semaphore_mem>>) src(%dma_wait3A_278 : memref<2048x1024xf32, #tpu.memory_space<hbm>>) dst(%dma_wait3A_273 : memref<32x1024xf32, #tpu.memory_space<vmem>>)
    %add3A_279 = arith.constant 128 : i32
    %add3A_280 = arith.addi %mul3A_32, %add3A_279 : i32
    %dma_start3A_281 = arith.constant 1 : i32
    %dma_start3A_282 = arith.constant 0 : i32
    %dma_start3A_283 = arith.constant 0 : i32
    %dma_start3A_284 = tpu.memref_slice %arg6[%dma_start3A_281, %dma_start3A_282, %dma_start3A_283] : memref<3x32x1024xf32, #tpu.memory_space<vmem>> -> memref<1x32x1024xf32, #tpu.memory_space<vmem>>
    %dma_start3A_285 = tpu.memref_squeeze %dma_start3A_284 : memref<1x32x1024xf32, #tpu.memory_space<vmem>> -> memref<32x1024xf32, #tpu.memory_space<vmem>>
    %dma_start3A_286 = arith.constant 0 : i32
    %dma_start3A_287 = tpu.memref_slice %arg4[%select_n3A, %add3A_280, %dma_start3A_286] : memref<4x2048x1024xf32, #tpu.memory_space<hbm>> -> memref<1x32x1024xf32, #tpu.memory_space<hbm>>
    %dma_start3A_288 = tpu.memref_squeeze %dma_start3A_287 : memref<1x32x1024xf32, #tpu.memory_space<hbm>> -> memref<32x1024xf32, #tpu.memory_space<hbm>>
    %dma_start3A_289 = arith.constant 0 : i32
    %dma_start3A_290 = tpu.memref_slice %arg4[%select_n3A, %add3A_280, %dma_start3A_289] : memref<4x2048x1024xf32, #tpu.memory_space<hbm>> -> memref<1x32x1024xf32, #tpu.memory_space<hbm>>
    %dma_start3A_291 = tpu.memref_squeeze %dma_start3A_290 : memref<1x32x1024xf32, #tpu.memory_space<hbm>> -> memref<32x1024xf32, #tpu.memory_space<hbm>>
    %dma_start3A_292 = arith.constant 0 : i32
    %dma_start3A_293 = arith.constant 0 : i32
    %dma_start3A_294 = tpu.memref_slice %arg6[%dma_start3A_281, %dma_start3A_292, %dma_start3A_293] : memref<3x32x1024xf32, #tpu.memory_space<vmem>> -> memref<1x32x1024xf32, #tpu.memory_space<vmem>>
    %dma_start3A_295 = tpu.memref_squeeze %dma_start3A_294 : memref<1x32x1024xf32, #tpu.memory_space<vmem>> -> memref<32x1024xf32, #tpu.memory_space<vmem>>
    tpu.enqueue_dma source(%dma_start3A_295 : memref<32x1024xf32, #tpu.memory_space<vmem>>) target(%dma_start3A_291 : memref<32x1024xf32, #tpu.memory_space<hbm>>) target_semaphore(%arg8 : memref<!tpu.dma_semaphore, #tpu.memory_space<semaphore_mem>>)
    %dma_wait3A_296 = arith.constant 1 : i32
    %dma_wait3A_297 = arith.constant 0 : i32
    %dma_wait3A_298 = arith.constant 0 : i32
    %dma_wait3A_299 = tpu.memref_slice %arg6[%dma_wait3A_296, %dma_wait3A_297, %dma_wait3A_298] : memref<3x32x1024xf32, #tpu.memory_space<vmem>> -> memref<1x32x1024xf32, #tpu.memory_space<vmem>>
    %dma_wait3A_300 = tpu.memref_squeeze %dma_wait3A_299 : memref<1x32x1024xf32, #tpu.memory_space<vmem>> -> memref<32x1024xf32, #tpu.memory_space<vmem>>
    %dma_wait3A_301 = arith.constant 0 : i32
    %dma_wait3A_302 = tpu.memref_slice %arg4[%select_n3A, %add3A_280, %dma_wait3A_301] : memref<4x2048x1024xf32, #tpu.memory_space<hbm>> -> memref<1x32x1024xf32, #tpu.memory_space<hbm>>
    %dma_wait3A_303 = tpu.memref_squeeze %dma_wait3A_302 : memref<1x32x1024xf32, #tpu.memory_space<hbm>> -> memref<32x1024xf32, #tpu.memory_space<hbm>>
    %dma_wait3A_304 = arith.constant 0 : i32
    %dma_wait3A_305 = tpu.memref_slice %arg4[%select_n3A, %add3A_280, %dma_wait3A_304] : memref<4x2048x1024xf32, #tpu.memory_space<hbm>> -> memref<1x32x1024xf32, #tpu.memory_space<hbm>>
    %dma_wait3A_306 = tpu.memref_squeeze %dma_wait3A_305 : memref<1x32x1024xf32, #tpu.memory_space<hbm>> -> memref<32x1024xf32, #tpu.memory_space<hbm>>
    %dma_wait3A_307 = arith.constant 0 : i32
    %dma_wait3A_308 = arith.constant 0 : i32
    %dma_wait3A_309 = tpu.memref_slice %arg6[%dma_wait3A_296, %dma_wait3A_307, %dma_wait3A_308] : memref<3x32x1024xf32, #tpu.memory_space<vmem>> -> memref<1x32x1024xf32, #tpu.memory_space<vmem>>
    %dma_wait3A_310 = tpu.memref_squeeze %dma_wait3A_309 : memref<1x32x1024xf32, #tpu.memory_space<vmem>> -> memref<32x1024xf32, #tpu.memory_space<vmem>>
    tpu.wait_dma2 semaphore(%arg8 : memref<!tpu.dma_semaphore, #tpu.memory_space<semaphore_mem>>) src(%dma_wait3A_310 : memref<32x1024xf32, #tpu.memory_space<vmem>>) dst(%dma_wait3A_306 : memref<32x1024xf32, #tpu.memory_space<hbm>>)
    %dma_start3A_311 = arith.constant 1 : i32
    %dma_start3A_312 = arith.constant 0 : i32
    %dma_start3A_313 = arith.constant 0 : i32
    %dma_start3A_314 = tpu.memref_slice %arg6[%dma_start3A_311, %dma_start3A_312, %dma_start3A_313] : memref<3x32x1024xf32, #tpu.memory_space<vmem>> -> memref<1x32x1024xf32, #tpu.memory_space<vmem>>
    %dma_start3A_315 = tpu.memref_squeeze %dma_start3A_314 : memref<1x32x1024xf32, #tpu.memory_space<vmem>> -> memref<32x1024xf32, #tpu.memory_space<vmem>>
    %dma_start3A_316 = arith.constant 224 : i32
    %dma_start3A_317 = tpu.memref_slice %arg5[%dma_start3A_316] : memref<256xi32, #tpu.memory_space<vmem>> -> memref<32xi32, #tpu.memory_space<vmem>>
    %dma_start3A_318 = arith.constant 0 : i32
    %dma_start3A_319 = arith.constant 0 : i32
    %dma_start3A_320 = tpu.memref_slice %arg3[%dma_start3A_318, %dma_start3A_319] : memref<2048x1024xf32, #tpu.memory_space<hbm>> -> memref<2048x1024xf32, #tpu.memory_space<hbm>>
    tpu.enqueue_indirect_dma source(%dma_start3A_320 : memref<2048x1024xf32, #tpu.memory_space<hbm>>) target(%dma_start3A_315 : memref<32x1024xf32, #tpu.memory_space<vmem>>) offsets(%dma_start3A_317 : memref<32xi32, #tpu.memory_space<vmem>>) semaphore(%arg7 : memref<!tpu.dma_semaphore, #tpu.memory_space<semaphore_mem>>)
    %dma_wait3A_321 = arith.constant 2 : i32
    %dma_wait3A_322 = arith.constant 0 : i32
    %dma_wait3A_323 = arith.constant 0 : i32
    %dma_wait3A_324 = tpu.memref_slice %arg6[%dma_wait3A_321, %dma_wait3A_322, %dma_wait3A_323] : memref<3x32x1024xf32, #tpu.memory_space<vmem>> -> memref<1x32x1024xf32, #tpu.memory_space<vmem>>
    %dma_wait3A_325 = tpu.memref_squeeze %dma_wait3A_324 : memref<1x32x1024xf32, #tpu.memory_space<vmem>> -> memref<32x1024xf32, #tpu.memory_space<vmem>>
    %dma_wait3A_326 = arith.constant 160 : i32
    %dma_wait3A_327 = tpu.memref_slice %arg5[%dma_wait3A_326] : memref<256xi32, #tpu.memory_space<vmem>> -> memref<32xi32, #tpu.memory_space<vmem>>
    %dma_wait3A_328 = arith.constant 0 : i32
    %dma_wait3A_329 = arith.constant 0 : i32
    %dma_wait3A_330 = tpu.memref_slice %arg3[%dma_wait3A_328, %dma_wait3A_329] : memref<2048x1024xf32, #tpu.memory_space<hbm>> -> memref<2048x1024xf32, #tpu.memory_space<hbm>>
    tpu.wait_indirect_dma semaphore(%arg7 : memref<!tpu.dma_semaphore, #tpu.memory_space<semaphore_mem>>) src(%dma_wait3A_330 : memref<2048x1024xf32, #tpu.memory_space<hbm>>) dst(%dma_wait3A_325 : memref<32x1024xf32, #tpu.memory_space<vmem>>)
    %add3A_331 = arith.constant 160 : i32
    %add3A_332 = arith.addi %mul3A_32, %add3A_331 : i32
    %dma_start3A_333 = arith.constant 2 : i32
    %dma_start3A_334 = arith.constant 0 : i32
    %dma_start3A_335 = arith.constant 0 : i32
    %dma_start3A_336 = tpu.memref_slice %arg6[%dma_start3A_333, %dma_start3A_334, %dma_start3A_335] : memref<3x32x1024xf32, #tpu.memory_space<vmem>> -> memref<1x32x1024xf32, #tpu.memory_space<vmem>>
    %dma_start3A_337 = tpu.memref_squeeze %dma_start3A_336 : memref<1x32x1024xf32, #tpu.memory_space<vmem>> -> memref<32x1024xf32, #tpu.memory_space<vmem>>
    %dma_start3A_338 = arith.constant 0 : i32
    %dma_start3A_339 = tpu.memref_slice %arg4[%select_n3A, %add3A_332, %dma_start3A_338] : memref<4x2048x1024xf32, #tpu.memory_space<hbm>> -> memref<1x32x1024xf32, #tpu.memory_space<hbm>>
    %dma_start3A_340 = tpu.memref_squeeze %dma_start3A_339 : memref<1x32x1024xf32, #tpu.memory_space<hbm>> -> memref<32x1024xf32, #tpu.memory_space<hbm>>
    %dma_start3A_341 = arith.constant 0 : i32
    %dma_start3A_342 = tpu.memref_slice %arg4[%select_n3A, %add3A_332, %dma_start3A_341] : memref<4x2048x1024xf32, #tpu.memory_space<hbm>> -> memref<1x32x1024xf32, #tpu.memory_space<hbm>>
    %dma_start3A_343 = tpu.memref_squeeze %dma_start3A_342 : memref<1x32x1024xf32, #tpu.memory_space<hbm>> -> memref<32x1024xf32, #tpu.memory_space<hbm>>
    %dma_start3A_344 = arith.constant 0 : i32
    %dma_start3A_345 = arith.constant 0 : i32
    %dma_start3A_346 = tpu.memref_slice %arg6[%dma_start3A_333, %dma_start3A_344, %dma_start3A_345] : memref<3x32x1024xf32, #tpu.memory_space<vmem>> -> memref<1x32x1024xf32, #tpu.memory_space<vmem>>
    %dma_start3A_347 = tpu.memref_squeeze %dma_start3A_346 : memref<1x32x1024xf32, #tpu.memory_space<vmem>> -> memref<32x1024xf32, #tpu.memory_space<vmem>>
    tpu.enqueue_dma source(%dma_start3A_347 : memref<32x1024xf32, #tpu.memory_space<vmem>>) target(%dma_start3A_343 : memref<32x1024xf32, #tpu.memory_space<hbm>>) target_semaphore(%arg8 : memref<!tpu.dma_semaphore, #tpu.memory_space<semaphore_mem>>)
    %dma_wait3A_348 = arith.constant 0 : i32
    %dma_wait3A_349 = arith.constant 0 : i32
    %dma_wait3A_350 = arith.constant 0 : i32
    %dma_wait3A_351 = tpu.memref_slice %arg6[%dma_wait3A_348, %dma_wait3A_349, %dma_wait3A_350] : memref<3x32x1024xf32, #tpu.memory_space<vmem>> -> memref<1x32x1024xf32, #tpu.memory_space<vmem>>
    %dma_wait3A_352 = tpu.memref_squeeze %dma_wait3A_351 : memref<1x32x1024xf32, #tpu.memory_space<vmem>> -> memref<32x1024xf32, #tpu.memory_space<vmem>>
    %dma_wait3A_353 = arith.constant 192 : i32
    %dma_wait3A_354 = tpu.memref_slice %arg5[%dma_wait3A_353] : memref<256xi32, #tpu.memory_space<vmem>> -> memref<32xi32, #tpu.memory_space<vmem>>
    %dma_wait3A_355 = arith.constant 0 : i32
    %dma_wait3A_356 = arith.constant 0 : i32
    %dma_wait3A_357 = tpu.memref_slice %arg3[%dma_wait3A_355, %dma_wait3A_356] : memref<2048x1024xf32, #tpu.memory_space<hbm>> -> memref<2048x1024xf32, #tpu.memory_space<hbm>>
    tpu.wait_indirect_dma semaphore(%arg7 : memref<!tpu.dma_semaphore, #tpu.memory_space<semaphore_mem>>) src(%dma_wait3A_357 : memref<2048x1024xf32, #tpu.memory_space<hbm>>) dst(%dma_wait3A_352 : memref<32x1024xf32, #tpu.memory_space<vmem>>)
    %add3A_358 = arith.constant 192 : i32
    %add3A_359 = arith.addi %mul3A_32, %add3A_358 : i32
    %dma_start3A_360 = arith.constant 0 : i32
    %dma_start3A_361 = arith.constant 0 : i32
    %dma_start3A_362 = arith.constant 0 : i32
    %dma_start3A_363 = tpu.memref_slice %arg6[%dma_start3A_360, %dma_start3A_361, %dma_start3A_362] : memref<3x32x1024xf32, #tpu.memory_space<vmem>> -> memref<1x32x1024xf32, #tpu.memory_space<vmem>>
    %dma_start3A_364 = tpu.memref_squeeze %dma_start3A_363 : memref<1x32x1024xf32, #tpu.memory_space<vmem>> -> memref<32x1024xf32, #tpu.memory_space<vmem>>
    %dma_start3A_365 = arith.constant 0 : i32
    %dma_start3A_366 = tpu.memref_slice %arg4[%select_n3A, %add3A_359, %dma_start3A_365] : memref<4x2048x1024xf32, #tpu.memory_space<hbm>> -> memref<1x32x1024xf32, #tpu.memory_space<hbm>>
    %dma_start3A_367 = tpu.memref_squeeze %dma_start3A_366 : memref<1x32x1024xf32, #tpu.memory_space<hbm>> -> memref<32x1024xf32, #tpu.memory_space<hbm>>
    %dma_start3A_368 = arith.constant 0 : i32
    %dma_start3A_369 = tpu.memref_slice %arg4[%select_n3A, %add3A_359, %dma_start3A_368] : memref<4x2048x1024xf32, #tpu.memory_space<hbm>> -> memref<1x32x1024xf32, #tpu.memory_space<hbm>>
    %dma_start3A_370 = tpu.memref_squeeze %dma_start3A_369 : memref<1x32x1024xf32, #tpu.memory_space<hbm>> -> memref<32x1024xf32, #tpu.memory_space<hbm>>
    %dma_start3A_371 = arith.constant 0 : i32
    %dma_start3A_372 = arith.constant 0 : i32
    %dma_start3A_373 = tpu.memref_slice %arg6[%dma_start3A_360, %dma_start3A_371, %dma_start3A_372] : memref<3x32x1024xf32, #tpu.memory_space<vmem>> -> memref<1x32x1024xf32, #tpu.memory_space<vmem>>
    %dma_start3A_374 = tpu.memref_squeeze %dma_start3A_373 : memref<1x32x1024xf32, #tpu.memory_space<vmem>> -> memref<32x1024xf32, #tpu.memory_space<vmem>>
    tpu.enqueue_dma source(%dma_start3A_374 : memref<32x1024xf32, #tpu.memory_space<vmem>>) target(%dma_start3A_370 : memref<32x1024xf32, #tpu.memory_space<hbm>>) target_semaphore(%arg8 : memref<!tpu.dma_semaphore, #tpu.memory_space<semaphore_mem>>)
    %dma_wait3A_375 = arith.constant 1 : i32
    %dma_wait3A_376 = arith.constant 0 : i32
    %dma_wait3A_377 = arith.constant 0 : i32
    %dma_wait3A_378 = tpu.memref_slice %arg6[%dma_wait3A_375, %dma_wait3A_376, %dma_wait3A_377] : memref<3x32x1024xf32, #tpu.memory_space<vmem>> -> memref<1x32x1024xf32, #tpu.memory_space<vmem>>
    %dma_wait3A_379 = tpu.memref_squeeze %dma_wait3A_378 : memref<1x32x1024xf32, #tpu.memory_space<vmem>> -> memref<32x1024xf32, #tpu.memory_space<vmem>>
    %dma_wait3A_380 = arith.constant 224 : i32
    %dma_wait3A_381 = tpu.memref_slice %arg5[%dma_wait3A_380] : memref<256xi32, #tpu.memory_space<vmem>> -> memref<32xi32, #tpu.memory_space<vmem>>
    %dma_wait3A_382 = arith.constant 0 : i32
    %dma_wait3A_383 = arith.constant 0 : i32
    %dma_wait3A_384 = tpu.memref_slice %arg3[%dma_wait3A_382, %dma_wait3A_383] : memref<2048x1024xf32, #tpu.memory_space<hbm>> -> memref<2048x1024xf32, #tpu.memory_space<hbm>>
    tpu.wait_indirect_dma semaphore(%arg7 : memref<!tpu.dma_semaphore, #tpu.memory_space<semaphore_mem>>) src(%dma_wait3A_384 : memref<2048x1024xf32, #tpu.memory_space<hbm>>) dst(%dma_wait3A_379 : memref<32x1024xf32, #tpu.memory_space<vmem>>)
    %add3A_385 = arith.constant 224 : i32
    %add3A_386 = arith.addi %mul3A_32, %add3A_385 : i32
    %dma_start3A_387 = arith.constant 1 : i32
    %dma_start3A_388 = arith.constant 0 : i32
    %dma_start3A_389 = arith.constant 0 : i32
    %dma_start3A_390 = tpu.memref_slice %arg6[%dma_start3A_387, %dma_start3A_388, %dma_start3A_389] : memref<3x32x1024xf32, #tpu.memory_space<vmem>> -> memref<1x32x1024xf32, #tpu.memory_space<vmem>>
    %dma_start3A_391 = tpu.memref_squeeze %dma_start3A_390 : memref<1x32x1024xf32, #tpu.memory_space<vmem>> -> memref<32x1024xf32, #tpu.memory_space<vmem>>
    %dma_start3A_392 = arith.constant 0 : i32
    %dma_start3A_393 = tpu.memref_slice %arg4[%select_n3A, %add3A_386, %dma_start3A_392] : memref<4x2048x1024xf32, #tpu.memory_space<hbm>> -> memref<1x32x1024xf32, #tpu.memory_space<hbm>>
    %dma_start3A_394 = tpu.memref_squeeze %dma_start3A_393 : memref<1x32x1024xf32, #tpu.memory_space<hbm>> -> memref<32x1024xf32, #tpu.memory_space<hbm>>
    %dma_start3A_395 = arith.constant 0 : i32
    %dma_start3A_396 = tpu.memref_slice %arg4[%select_n3A, %add3A_386, %dma_start3A_395] : memref<4x2048x1024xf32, #tpu.memory_space<hbm>> -> memref<1x32x1024xf32, #tpu.memory_space<hbm>>
    %dma_start3A_397 = tpu.memref_squeeze %dma_start3A_396 : memref<1x32x1024xf32, #tpu.memory_space<hbm>> -> memref<32x1024xf32, #tpu.memory_space<hbm>>
    %dma_start3A_398 = arith.constant 0 : i32
    %dma_start3A_399 = arith.constant 0 : i32
    %dma_start3A_400 = tpu.memref_slice %arg6[%dma_start3A_387, %dma_start3A_398, %dma_start3A_399] : memref<3x32x1024xf32, #tpu.memory_space<vmem>> -> memref<1x32x1024xf32, #tpu.memory_space<vmem>>
    %dma_start3A_401 = tpu.memref_squeeze %dma_start3A_400 : memref<1x32x1024xf32, #tpu.memory_space<vmem>> -> memref<32x1024xf32, #tpu.memory_space<vmem>>
    tpu.enqueue_dma source(%dma_start3A_401 : memref<32x1024xf32, #tpu.memory_space<vmem>>) target(%dma_start3A_397 : memref<32x1024xf32, #tpu.memory_space<hbm>>) target_semaphore(%arg8 : memref<!tpu.dma_semaphore, #tpu.memory_space<semaphore_mem>>)
    %dma_wait3A_402 = arith.constant 2 : i32
    %dma_wait3A_403 = arith.constant 0 : i32
    %dma_wait3A_404 = arith.constant 0 : i32
    %dma_wait3A_405 = tpu.memref_slice %arg6[%dma_wait3A_402, %dma_wait3A_403, %dma_wait3A_404] : memref<3x32x1024xf32, #tpu.memory_space<vmem>> -> memref<1x32x1024xf32, #tpu.memory_space<vmem>>
    %dma_wait3A_406 = tpu.memref_squeeze %dma_wait3A_405 : memref<1x32x1024xf32, #tpu.memory_space<vmem>> -> memref<32x1024xf32, #tpu.memory_space<vmem>>
    %dma_wait3A_407 = arith.constant 0 : i32
    %dma_wait3A_408 = tpu.memref_slice %arg4[%select_n3A, %add3A_332, %dma_wait3A_407] : memref<4x2048x1024xf32, #tpu.memory_space<hbm>> -> memref<1x32x1024xf32, #tpu.memory_space<hbm>>
    %dma_wait3A_409 = tpu.memref_squeeze %dma_wait3A_408 : memref<1x32x1024xf32, #tpu.memory_space<hbm>> -> memref<32x1024xf32, #tpu.memory_space<hbm>>
    %dma_wait3A_410 = arith.constant 0 : i32
    %dma_wait3A_411 = tpu.memref_slice %arg4[%select_n3A, %add3A_332, %dma_wait3A_410] : memref<4x2048x1024xf32, #tpu.memory_space<hbm>> -> memref<1x32x1024xf32, #tpu.memory_space<hbm>>
    %dma_wait3A_412 = tpu.memref_squeeze %dma_wait3A_411 : memref<1x32x1024xf32, #tpu.memory_space<hbm>> -> memref<32x1024xf32, #tpu.memory_space<hbm>>
    %dma_wait3A_413 = arith.constant 0 : i32
    %dma_wait3A_414 = arith.constant 0 : i32
    %dma_wait3A_415 = tpu.memref_slice %arg6[%dma_wait3A_402, %dma_wait3A_413, %dma_wait3A_414] : memref<3x32x1024xf32, #tpu.memory_space<vmem>> -> memref<1x32x1024xf32, #tpu.memory_space<vmem>>
    %dma_wait3A_416 = tpu.memref_squeeze %dma_wait3A_415 : memref<1x32x1024xf32, #tpu.memory_space<vmem>> -> memref<32x1024xf32, #tpu.memory_space<vmem>>
    tpu.wait_dma2 semaphore(%arg8 : memref<!tpu.dma_semaphore, #tpu.memory_space<semaphore_mem>>) src(%dma_wait3A_416 : memref<32x1024xf32, #tpu.memory_space<vmem>>) dst(%dma_wait3A_412 : memref<32x1024xf32, #tpu.memory_space<hbm>>)
    %dma_wait3A_417 = arith.constant 0 : i32
    %dma_wait3A_418 = arith.constant 0 : i32
    %dma_wait3A_419 = arith.constant 0 : i32
    %dma_wait3A_420 = tpu.memref_slice %arg6[%dma_wait3A_417, %dma_wait3A_418, %dma_wait3A_419] : memref<3x32x1024xf32, #tpu.memory_space<vmem>> -> memref<1x32x1024xf32, #tpu.memory_space<vmem>>
    %dma_wait3A_421 = tpu.memref_squeeze %dma_wait3A_420 : memref<1x32x1024xf32, #tpu.memory_space<vmem>> -> memref<32x1024xf32, #tpu.memory_space<vmem>>
    %dma_wait3A_422 = arith.constant 0 : i32
    %dma_wait3A_423 = tpu.memref_slice %arg4[%select_n3A, %add3A_359, %dma_wait3A_422] : memref<4x2048x1024xf32, #tpu.memory_space<hbm>> -> memref<1x32x1024xf32, #tpu.memory_space<hbm>>
    %dma_wait3A_424 = tpu.memref_squeeze %dma_wait3A_423 : memref<1x32x1024xf32, #tpu.memory_space<hbm>> -> memref<32x1024xf32, #tpu.memory_space<hbm>>
    %dma_wait3A_425 = arith.constant 0 : i32
    %dma_wait3A_426 = tpu.memref_slice %arg4[%select_n3A, %add3A_359, %dma_wait3A_425] : memref<4x2048x1024xf32, #tpu.memory_space<hbm>> -> memref<1x32x1024xf32, #tpu.memory_space<hbm>>
    %dma_wait3A_427 = tpu.memref_squeeze %dma_wait3A_426 : memref<1x32x1024xf32, #tpu.memory_space<hbm>> -> memref<32x1024xf32, #tpu.memory_space<hbm>>
    %dma_wait3A_428 = arith.constant 0 : i32
    %dma_wait3A_429 = arith.constant 0 : i32
    %dma_wait3A_430 = tpu.memref_slice %arg6[%dma_wait3A_417, %dma_wait3A_428, %dma_wait3A_429] : memref<3x32x1024xf32, #tpu.memory_space<vmem>> -> memref<1x32x1024xf32, #tpu.memory_space<vmem>>
    %dma_wait3A_431 = tpu.memref_squeeze %dma_wait3A_430 : memref<1x32x1024xf32, #tpu.memory_space<vmem>> -> memref<32x1024xf32, #tpu.memory_space<vmem>>
    tpu.wait_dma2 semaphore(%arg8 : memref<!tpu.dma_semaphore, #tpu.memory_space<semaphore_mem>>) src(%dma_wait3A_431 : memref<32x1024xf32, #tpu.memory_space<vmem>>) dst(%dma_wait3A_427 : memref<32x1024xf32, #tpu.memory_space<hbm>>)
    %dma_wait3A_432 = arith.constant 1 : i32
    %dma_wait3A_433 = arith.constant 0 : i32
    %dma_wait3A_434 = arith.constant 0 : i32
    %dma_wait3A_435 = tpu.memref_slice %arg6[%dma_wait3A_432, %dma_wait3A_433, %dma_wait3A_434] : memref<3x32x1024xf32, #tpu.memory_space<vmem>> -> memref<1x32x1024xf32, #tpu.memory_space<vmem>>
    %dma_wait3A_436 = tpu.memref_squeeze %dma_wait3A_435 : memref<1x32x1024xf32, #tpu.memory_space<vmem>> -> memref<32x1024xf32, #tpu.memory_space<vmem>>
    %dma_wait3A_437 = arith.constant 0 : i32
    %dma_wait3A_438 = tpu.memref_slice %arg4[%select_n3A, %add3A_386, %dma_wait3A_437] : memref<4x2048x1024xf32, #tpu.memory_space<hbm>> -> memref<1x32x1024xf32, #tpu.memory_space<hbm>>
    %dma_wait3A_439 = tpu.memref_squeeze %dma_wait3A_438 : memref<1x32x1024xf32, #tpu.memory_space<hbm>> -> memref<32x1024xf32, #tpu.memory_space<hbm>>
    %dma_wait3A_440 = arith.constant 0 : i32
    %dma_wait3A_441 = tpu.memref_slice %arg4[%select_n3A, %add3A_386, %dma_wait3A_440] : memref<4x2048x1024xf32, #tpu.memory_space<hbm>> -> memref<1x32x1024xf32, #tpu.memory_space<hbm>>
    %dma_wait3A_442 = tpu.memref_squeeze %dma_wait3A_441 : memref<1x32x1024xf32, #tpu.memory_space<hbm>> -> memref<32x1024xf32, #tpu.memory_space<hbm>>
    %dma_wait3A_443 = arith.constant 0 : i32
    %dma_wait3A_444 = arith.constant 0 : i32
    %dma_wait3A_445 = tpu.memref_slice %arg6[%dma_wait3A_432, %dma_wait3A_443, %dma_wait3A_444] : memref<3x32x1024xf32, #tpu.memory_space<vmem>> -> memref<1x32x1024xf32, #tpu.memory_space<vmem>>
    %dma_wait3A_446 = tpu.memref_squeeze %dma_wait3A_445 : memref<1x32x1024xf32, #tpu.memory_space<vmem>> -> memref<32x1024xf32, #tpu.memory_space<vmem>>
    tpu.wait_dma2 semaphore(%arg8 : memref<!tpu.dma_semaphore, #tpu.memory_space<semaphore_mem>>) src(%dma_wait3A_446 : memref<32x1024xf32, #tpu.memory_space<vmem>>) dst(%dma_wait3A_442 : memref<32x1024xf32, #tpu.memory_space<hbm>>)
    return
  }
}

</mosaic_0001>

<sc_bundles>
// kernel: kernel.3.cloned.1.call-start
scs
__scs_entry_jumppad:
0x0: {  	(pc) =	sbr.rel $0x88, $3  }
0x1: {  	(tag) =	ssettag $0x0;
	lr =	simm.s32 $0x1  }
0x2: {  	[smem:$0x3F9F] =	sst lr;
	_ =	strace $0xD0000000  }
0x3: {  	_ = 	snop  }
0x4: {  	_ = 	snop  }
0x5: {  	_ = 	snop  }
0x6: {  	_ = 	snop  }
0x7: {  	_ = 	snop  }
__scs_overlays_trampoline_lowered:
0x8: {  	[smem:$0x3FAE] =	sst s0  }
0x9: {  	[smem:$0x3FAF] =	sst s1  }
0xa: {  	[smem:$0x3FB0] =	sst s2  }
0xb: {  	[smem:$0x3FB1] =	sst s3  }
0xc: {  	[smem:$0x3FB2] =	sst s4  }
0xd: {  	[smem:$0x3FB3] =	sst s5  }
0xe: {  	[smem:$0x3FB4] =	sst s6  }
0xf: {  	[smem:$0x3FB5] =	sst s7  }
0x10: {  	[smem:$0x3FB6] =	sst s8  }
0x11: {  	[smem:$0x3FB7] =	sst s9;
	s0 =	simm.s32 @!p0 $0x0  }
0x12: {  	s1 =	sld [smem:$0x3F9D];
	s0 =	simm.s32 @p0 $0x1  }
0x13: {  	[smem:$0x3FB8] =	sst s0;
	s0 =	simm.s32 @!p1 $0x0  }
0x14: {  	s2 =	sld [smem:$0x3F9C];
	s0 =	simm.s32 @p1 $0x1  }
0x15: {  	[smem:$0x3FB9] =	sst s0;
	s0 =	simm.s32 @!p2 $0x0  }
0x16: {  	s3 =	sld [smem:$0x3FDB];
	s0 =	simm.s32 @p2 $0x1  }
0x17: {  	s4 =	simm.s32 $0x1BF5;
	[smem:$0x3FBB] =	sst s0  }
0x18: {  	s0 =	sld [smem:$0x3F9E];
	_ =	swait.ge [sflag:s4], $0x0  }
0x19: {  	s7 =	sld [smem:$0x3F9F]  }
0x1a: {  	s8 =	sadd.s32 $0xFFFFE003, lr  }
0x1b: {  	s9 =	sadd.s32 $0xFFFFFEF7, lr;
	s5 =	simm.s32 $0xFFFFFFFF;
	p2 =	slt.u32 s8, $0xFFFFF086  }
0x1c: {  	p1 =	slt.u32 s9, $0xF7A;
	s5 =	simm.s32 @!p2 $0x0  }
0x1d: {  	s5 =	simm.s32 @p1 $0x1;
	p0 =	seq.s32 s7, s2  }
0x1e: {  	s7 =	smul.u32 @!p0 $0xF7A, s2;
	p2 =	seq.s32 @!p0 s5, $0x0  }
0x1f: {  	s9 =	smul.u32 $0xF7A, s1;
	s8 =	simm.s32 @!p0 $0x1BF5;
	p2 =	por !p2, p0  }
0x20: {  	[sflag:s8] =	ssyncset.s32 @!p0 $0xFFFFF086;
	s6 =	sadd.s32 @!p0 s3, s7;
	s7 =	simm.s32 @!p0 $0x108  }
0x21: {  	s3 =	sadd.s32 s3, s9;
	s6 =	sadd.s32 @!p0 $0x88, s6;
	s7 =	simm.s32 @p2 $0x1082  }
0x22: {  	[simem:s7], [sflag:s8] =	dma.local @!p0 [hbm:s6], $0xF7A  }
0x23: {  	s9 =	sor.u32 $0xD0000000, s2;
	s6 =	simm.s32 $0x108;
	_ =	swait.ge @!p0 [sflag:s8], $0x0  }
0x24: {  	s3 =	sadd.s32 $0x88, s3;
	s6 =	simm.s32 @!p1 $0x1082;
	[sflag:s4] =	ssyncset.s32 $0xFFFFF086  }
0x25: {  	[simem:s6], [sflag:s4] =	dma.local [hbm:s3], $0xF7A  }
0x26: {  	[smem:$0x3F9F] =	sst s1;
	(tag) =	ssettag s2;
	_ =	strace s9  }
0x27: {  	s1 =	sld [smem:$0x3FAF]  }
0x28: {  	s2 =	sld [smem:$0x3FB0]  }
0x29: {  	s4 =	sld [smem:$0x3FB2]  }
0x2a: {  	p0 =	seq.s32 s5, $0x0;
	s5 =	sld [smem:$0x3FB3]  }
0x2b: {  	s6 =	sld [smem:$0x3FB4]  }
0x2c: {  	s7 =	sld [smem:$0x3FB5]  }
0x2d: {  	s3 =	simm.s32 $0x108;
	s8 =	sld [smem:$0x3FB6]  }
0x2e: {  	s3 =	simm.s32 @!p0 $0x1082;
	s9 =	sld [smem:$0x3FB7]  }
0x2f: {  	lr =	sadd.s32 s0, s3;
	s0 =	sld [smem:$0x3FAE]  }
0x30: {  	s3 =	sld [smem:$0x3FB1]  }
0x31: {  	[smem:$0x3FBA] =	sst s10  }
0x32: {  	s10 =	sld [smem:$0x3FB8];
	_ =	sdelay $0x3  }
0x33: {  	p0 =	seq.s32 s10, $0x1;
	s10 =	sld [smem:$0x3FBA];
	_ =	sdelay $0x3  }
0x34: {  	[smem:$0x3FBA] =	sst s10  }
0x35: {  	s10 =	sld [smem:$0x3FB9];
	_ =	sdelay $0x3  }
0x36: {  	p1 =	seq.s32 s10, $0x1;
	s10 =	sld [smem:$0x3FBA];
	_ =	sdelay $0x3  }
0x37: {  	[smem:$0x3FBA] =	sst s10  }
0x38: {  	s10 =	sld [smem:$0x3FBB]  }
0x39: {  	_ = 	snop;
	(pc) =	sbr.ind lr, $3  }
0x3a: {  	_ = 	snop  }
0x3b: {  	_ = 	snop  }
0x3c: {  	p2 =	seq.s32 s10, $0x1;
	s10 =	sld [smem:$0x3FBA]  }
0x3d: {  	_ =	shalt  }
0x3e: {  	_ =	shalt  }
0x3f: {  	_ =	shalt  }
0x40: {  	_ =	shalt  }
0x41: {  	_ =	shalt  }
0x42: {  	_ =	shalt  }
0x43: {  	_ =	shalt  }
0x44: {  	_ =	shalt  }
0x45: {  	_ =	shalt  }
0x46: {  	_ =	shalt  }
0x47: {  	_ =	shalt  }
0x48: {  	_ =	shalt  }
0x49: {  	_ =	shalt  }
0x4a: {  	_ =	shalt  }
0x4b: {  	_ =	shalt  }
0x4c: {  	_ =	shalt  }
0x4d: {  	_ =	shalt  }
0x4e: {  	_ =	shalt  }
0x4f: {  	_ =	shalt  }
0x50: {  	_ =	shalt  }
0x51: {  	_ =	shalt  }
0x52: {  	_ =	shalt  }
0x53: {  	_ =	shalt  }
0x54: {  	_ =	shalt  }
0x55: {  	_ =	shalt  }
0x56: {  	_ =	shalt  }
0x57: {  	_ =	shalt  }
0x58: {  	_ =	shalt  }
0x59: {  	_ =	shalt  }
0x5a: {  	_ =	shalt  }
0x5b: {  	_ =	shalt  }
0x5c: {  	_ =	shalt  }
0x5d: {  	_ =	shalt  }
0x5e: {  	_ =	shalt  }
0x5f: {  	_ =	shalt  }
0x60: {  	_ =	shalt  }
0x61: {  	_ =	shalt  }
0x62: {  	_ =	shalt  }
0x63: {  	_ =	shalt  }
0x64: {  	_ =	shalt  }
0x65: {  	_ =	shalt  }
0x66: {  	_ =	shalt  }
0x67: {  	_ =	shalt  }
0x68: {  	_ =	shalt  }
0x69: {  	_ =	shalt  }
0x6a: {  	_ =	shalt  }
0x6b: {  	_ =	shalt  }
0x6c: {  	_ =	shalt  }
0x6d: {  	_ =	shalt  }
0x6e: {  	_ =	shalt  }
0x6f: {  	_ =	shalt  }
0x70: {  	_ =	shalt  }
0x71: {  	_ =	shalt  }
0x72: {  	_ =	shalt  }
0x73: {  	_ =	shalt  }
0x74: {  	_ =	shalt  }
0x75: {  	_ =	shalt  }
0x76: {  	_ =	shalt  }
0x77: {  	_ =	shalt  }
0x78: {  	_ =	shalt  }
0x79: {  	_ =	shalt  }
0x7a: {  	_ =	shalt  }
0x7b: {  	_ =	shalt  }
0x7c: {  	_ =	shalt  }
0x7d: {  	_ =	shalt  }
0x7e: {  	_ =	shalt  }
0x7f: {  	_ =	shalt  }
0x80: {  	_ =	shalt  }
0x81: {  	_ =	shalt  }
0x82: {  	_ =	shalt  }
0x83: {  	_ =	shalt  }
0x84: {  	_ =	shalt  }
0x85: {  	_ =	shalt  }
0x86: {  	_ =	shalt  }
0x87: {  	_ =	shalt  }
.Lfunc_end0:
.L_simem_size_0:
called_computation_lowered:
.L_overlay_start_0:
0x88: {  	s2 =	sld [smem:$0x3FD9]  }
0x89: {  	s3 =	sld [smem:$0x3FFE];
	_ =	sdelay $0x1  }
0x8a: {  	s1 =	srdreg.scid  }
0x8b: {  	s0 =	sand.u32 $0x1, s1  }
0x8c: {  	s18 =	sshll.u32 s0, $0xA;
	s2 =	sadd.s32 s3, s2  }
0x8d: {  	s2 =	sadd.s32 s2, s18  }
0x8e: {  	[smem:$0x3FC6] =	sst s2  }
0x8f: {  	_ = 	snop  }
0x90: {  	s2 =	sld [smem:$0x3FC9]  }
0x91: {  	s19 =	sld [smem:$0x3FC8]  }
0x92: {  	s4 =	sld [smem:$0x3FD0];
	(tm) =	ssettm $0x1  }
0x93: {  	s5 =	sld [smem:$0x3FFB];
	_ =	sdelay $0x3  }
0x94: {  	_ =	strace s5  }
0x95: {  	s5 =	sld [smem:$0x3FFC];
	_ =	sdelay $0x3  }
0x96: {  	_ =	strace s5  }
0x97: {  	s5 =	sld [smem:$0x3FFD];
	_ =	sdelay $0x3  }
0x98: {  	_ =	strace s5  }
0x99: {  	_ =	strace $0x8FFFFFFF  }
0x9a: {  	s20 =	sld [smem:$0x3FDB];
	_ =	sdelay $0x1  }
0x9b: {  	s6 =	simm.s32 $_scs_section_size  }
0x9c: {  	s7 =	simm.s32 $_size__tile_overlayer_lowered;
	s8 =	simm.s32 $_tile_overlayer_lowered  }
0x9d: {  	s23 =	simm.s32 $0x1BFF;
	s22 =	sshll.u32 s8, $0x1;
	s5 =	sadd.s32 s6, s20  }
0x9e: {  	s9 =	simm.s32 $0x0;
	s21 =	sshll.u32 s7, $0x1;
	s7 =	sadd.s32 s22, s5  }
0x9f: {  	[timem:s9], [sflag:s23] =	dma.local [hbm:s7], s21  }
0xa0: {  	_ =	swait.ge [sflag:s23], s21  }
0xa1: {  	s6 =	ssub.s32 $0x0, s21;
	[sflag:s23] =	ssyncset.done $0x0  }
0xa2: {  	[sflag:s23] =	ssyncadd.s32 s6;
	_ =	sdelay $0x1  }
0xa3: {  	s24 =	simm.s32 $0x1B8B  }
0xa4: {  	_ =	swait.ge [sflag:s24], $0x1  }
0xa5: {  	[sflag:s24] =	ssyncset.done $0x0  }
0xa6: {  	s25 =	simm.s32 $0x1B8E;
	[sflag:s24] =	ssyncadd.s32 $0xFFFFFFFF  }
0xa7: {  	s26 =	simm.s32 $execute0_lowered;
	[smem:$0x3FD2] =	sst s25  }
0xa8: {  	s6 =	sshll.u32 s26, $0x1;
	_ =	strace $0x80000046;
	[dreg:$0x1] =	wrdreg $0xFFFFFFFF  }
0xa9: {  	s28 =	simm.s32 $_size_execute0_lowered;
	s5 =	sadd.s32 s5, s6;
	[dreg:$0x0] =	wrdreg $0x0  }
0xaa: {  	s6 =	sshll.u32 s28, $0x1;
	[dreg:$0x2] =	wrdreg s5  }
0xab: {  	[dreg:$0x3] =	wrdreg s6  }
0xac: {  	[dreg:$0x4] =	wrdreg $0xC0  }
0xad: {  	_ =	task [dreg:s9], $0x5FFFF  }
0xae: {  	[dreg:$0x1] =	wrdreg $0xFFFFFFFF  }
0xaf: {  	[dreg:$0x0] =	wrdreg $0x60  }
0xb0: {  	[dreg:$0x2] =	wrdreg s2  }
0xb1: {  	[dreg:$0x3] =	wrdreg s19  }
0xb2: {  	[dreg:$0x4] =	wrdreg s4  }
0xb3: {  	[dreg:$0x5] =	wrdreg $0x9  }
0xb4: {  	_ =	task.clear_ibuf [dreg:s9], $0x6FFFF;
	_ =	strace $0x90000046  }
0xb5: {  	s29 =	simm.s32 $0x9;
	_ =	strace $0x80000048  }
0xb6: {  	_ =	swait.ge [sflag:s29], $0x1  }
0xb7: {  	[sflag:s29] =	ssyncadd.s32 $0xFFFFFFFF  }
0xb8: {  	_ =	strace $0x90000048  }
0xb9: {  	_ =	sfence  }
0xba: {  	s30 =	sld [smem:$0x0];
	_ =	sdelay $0x2  }
0xbb: {  	s31 =	sshll.u32 s1, $0xD;
	s1 =	sshrl.u32 s1, $0x2  }
0xbc: {  	s3 =	sand.u32 $0x4000, s31;
	s1 =	sadd.s32 s1, s30  }
0xbd: {  	s0 =	sor.u32 s3, s0;
	s1 =	sshll.u32 s1, $0x11  }
0xbe: {  	s0 =	sor.u32 s1, s0  }
0xbf: {  	s0 =	sadd.s32 $0x8F2B, s0  }
0xc0: {  	[sflag:s0] =	ssyncadd.remote.s32 $0x1  }
0xc1: {  	_ =	sfence.sel $0xFFFF  }
0xc2: {  	[dreg:$0x0] =	wrdreg $0xFFFFFFFF;
	(pc) =	sbr.abs _section_cstart, $3  }
0xc3: {  	[dreg:$0x1] =	wrdreg $0xFFFFFFFF  }
0xc4: {  	_ =	task.clear_ibuf [dreg:s9], $0x2FFFF;
	_ =	strace $0x9FFFFFFF  }
0xc5: {  	(tm) =	ssettm $0x7FFFFFFF  }
tec
execute0_lowered:
.L_overlay_start_1:
0x0: {  	(tag) =	ssettag $0x1  }
0x1: {  	s0 =	rddreg [dreg:$0x0]  }
0x2: {  	s2 =	rddreg [dreg:$0x1]  }
0x3: {  	s1 =	rddreg [dreg:$0x2]  }
0x4: {  	s6 =	stileid.u32;
	s4 =	srdreg.scid  }
0x5: {  	s3 =	simm.s32 $0x0;
	s25 =	simm.s32 $0x80;
	s26 =	simm.s32 $0x200  }
0x6: {  	s28 =	simm.s32 $0x2900;
	s29 =	simm.s32 $0x3100;
	s30 =	simm.s32 $0x3900  }
0x7: {  	s31 =	simm.s32 $0x4100;
	s9 =	simm.s32 $0x11900;
	s10 =	simm.s32 $0x12100  }
0x8: {  	s11 =	simm.s32 $0x12900;
	s12 =	simm.s32 $0x13100;
	s13 =	simm.s32 $0x13900  }
0x9: {  	s14 =	simm.s32 $0x14100;
	s15 =	simm.s32 $0x14900;
	s5 =	sshll.u32 s6, $0x1  }
0xa: {  	s4 =	sand.u32 $0x1, s4;
	[smem:$0x7FF] =	sst s3;
	s6 =	sshrl.u32 s6, $0x2  }
0xb: {  	s5 =	sand.u32 $0x6, s5;
	s8 =	sshll.u32 s6, $0x4;
	s6 =	sshll.u32 s6, $0x12  }
0xc: {  	_ =	strace $0x80000047;
	s21 =	ssub.s32 $0x2, s4;
	[dreg:$0xc] =	wrdreg s25  }
0xd: {  	[dreg:$0xd] =	wrdreg s26;
	s26 =	simm.s32 $0x100;
	s5 =	sor.u32 s4, s5  }
0xe: {  	s0 =	sadd.s32 s0, s8;
	s7 =	sshll.u32 s5, $0xF;
	s5 =	sshll.u32 s5, $0x7  }
0xf: {  	s25 =	simm.s32 $0x10100;
	s6 =	sor.u32 s6, s7;
	s0 =	sadd.s32 s5, s0  }
0x10: {  	s4 =	sshrl.u32 s21, $0x1;
	s16 =	sadd.s32 s1, s6;
	[dreg:$0x4] =	wrdreg s0  }
0x11: {  	s5 =	sadd.s32 $0x100, s2;
	s17 =	sadd.s32 $0x1000, s16;
	[dreg:$0xe] =	wrdreg s16  }
0x12: {  	s7 =	sadd.s32 $0x300, s2;
	s18 =	sadd.s32 $0x2000, s16;
	[dreg:$0x5] =	wrdreg s17  }
0x13: {  	s1 =	ssub.s32 s21, s4;
	s19 =	sadd.s32 $0x3000, s16;
	[dreg:$0x6] =	wrdreg s18  }
0x14: {  	s6 =	sadd.s32 $0x200, s2;
	s20 =	sadd.s32 $0x4000, s16;
	[dreg:$0x7] =	wrdreg s19  }
0x15: {  	s4 =	simm.s32 $0x11100;
	s22 =	sadd.s32 $0x5000, s16;
	[dreg:$0x8] =	wrdreg s20  }
0x16: {  	s23 =	sadd.s32 $0x6000, s16;
	s24 =	sadd.s32 $0x7000, s16;
	[dreg:$0x9] =	wrdreg s22  }
0x17: {  	v2 =	vlaneseq.u32;
	s8 =	smax.u32 s1, $0x1;
	s16 =	simm.s32 $0x15100;
	[dreg:$0xa] =	wrdreg s23  }
0x18: {  	vm0 =	vmmov $0xffff;
	v1 =	vshrl.u32 v2, $0x3;
	[dreg:$0xb] =	wrdreg s24;
	s19 =	simm.s32 $0x1;
	s20 =	simm.s32 $0x2  }
0x19: {  	v0 =	vand.u32 $0x7, v2;
	v2 =	vor.u32 $0x8, v2;
	v1 =	vmul.u32 $0x8, v1;
	s17 =	simm.s32 $0x15900;
	s18 =	simm.s32 $0x16100;
	s24 =	simm.s32 $0x17900  }
.LBB2_1:
0x1a: {  	s21 =	rddreg [dreg:$0x4]  }
0x1b: {  	s22 =	rddreg [dreg:$0xc]  }
0x1c: {  	s23 =	rddreg [dreg:$0xd];
	s0 =	simm.s32 $0x3  }
0x1d: {  	[tilespmem:s3], [sflag:$0x3] =	stream.strided.gather [hbm4b:s21+s22], $0x100, s23, s22, $0x38;
	[tilespmem:$0x18100] =	vst v63  }
0x1e: {  	_ =	swait.ge [sflag:s0], $0x100  }
0x1f: {  	[sflag:s0] =	ssyncset.done $0x0  }
0x20: {  	[sflag:s0] =	ssyncadd.s32 $0xFFFFFF00  }
0x21: {  	v3 =	vld [tilespmem:$0x0];
	_ =	sdelay $0x4  }
0x22: {  	v4 =	vshll.u32 v3, $0x3  }
0x23: {  	v3 =	vand.u32 $0x7, v3;
	v4 =	vand.u32 $0xFFFFFFC0, v4  }
0x24: {  	v3 =	vor.u32 v3, v4  }
0x25: {  	v4 =	vperm.xlane v3, v0;
	_ =	sdelay $0x1  }
0x26: {  	v4 =	vadd.s32 v1, v4;
	_ =	sdelay $0x4  }
0x27: {  	[tilespmem:s26], [sflag:$0x1] =	stream.indirect_vreg.gather [hbm4b:s2+s3], $0x80, v4, vm0, $0xb8;
	[tilespmem:$0x18100] =	vst v63  }
0x28: {  	s0 =	simm.s32 $0x900;
	v3 =	vperm.xlane v3, v2  }
0x29: {  	[tilespmem:s0], [sflag:$0x1] =	stream.indirect_vreg.gather [hbm4b:s5+s3], $0x80, v4, vm0, $0xb8;
	[tilespmem:$0x18100] =	vst v63  }
0x2a: {  	s1 =	simm.s32 $0x1100;
	v3 =	vadd.s32 v1, v3  }
0x2b: {  	[tilespmem:s1], [sflag:$0x1] =	stream.indirect_vreg.gather [hbm4b:s6+s3], $0x80, v4, vm0, $0xb8;
	[tilespmem:$0x18100] =	vst v63  }
0x2c: {  	s21 =	simm.s32 $0x1900  }
0x2d: {  	[tilespmem:s21], [sflag:$0x1] =	stream.indirect_vreg.gather [hbm4b:s7+s3], $0x80, v4, vm0, $0xb8;
	[tilespmem:$0x18100] =	vst v63  }
0x2e: {  	s22 =	simm.s32 $0x2100  }
0x2f: {  	[tilespmem:s22], [sflag:$0x1] =	stream.indirect_vreg.gather [hbm4b:s2+s3], $0x80, v3, vm0, $0xb8;
	[tilespmem:$0x18100] =	vst v63  }
0x30: {  	_ = 	snop  }
0x31: {  	[tilespmem:s28], [sflag:$0x1] =	stream.indirect_vreg.gather [hbm4b:s5+s3], $0x80, v3, vm0, $0xb8;
	[tilespmem:$0x18100] =	vst v63  }
0x32: {  	_ = 	snop  }
0x33: {  	[tilespmem:s29], [sflag:$0x1] =	stream.indirect_vreg.gather [hbm4b:s6+s3], $0x80, v3, vm0, $0xb8;
	[tilespmem:$0x18100] =	vst v63  }
0x34: {  	_ = 	snop  }
0x35: {  	[tilespmem:s30], [sflag:$0x1] =	stream.indirect_vreg.gather [hbm4b:s7+s3], $0x80, v3, vm0, $0xb8;
	[tilespmem:$0x18100] =	vst v63  }
0x36: {  	v3 =	vld [tilespmem:$0x10];
	_ =	sdelay $0x4  }
0x37: {  	v49 =	vshll.u32 v3, $0x3  }
0x38: {  	v3 =	vand.u32 $0x7, v3;
	v4 =	vand.u32 $0xFFFFFFC0, v49  }
0x39: {  	v3 =	vor.u32 v3, v4  }
0x3a: {  	v4 =	vperm.xlane v3, v0;
	_ =	sdelay $0x1  }
0x3b: {  	v4 =	vadd.s32 v1, v4;
	_ =	sdelay $0x4  }
0x3c: {  	[tilespmem:s31], [sflag:$0x1] =	stream.indirect_vreg.gather [hbm4b:s2+s3], $0x80, v4, vm0, $0xb8;
	[tilespmem:$0x18100] =	vst v63  }
0x3d: {  	s23 =	simm.s32 $0x4900;
	v3 =	vperm.xlane v3, v2  }
0x3e: {  	[tilespmem:s23], [sflag:$0x1] =	stream.indirect_vreg.gather [hbm4b:s5+s3], $0x80, v4, vm0, $0xb8;
	[tilespmem:$0x18100] =	vst v63  }
0x3f: {  	s1 =	simm.s32 $0x5100;
	v3 =	vadd.s32 v1, v3  }
0x40: {  	[tilespmem:s1], [sflag:$0x1] =	stream.indirect_vreg.gather [hbm4b:s6+s3], $0x80, v4, vm0, $0xb8;
	[tilespmem:$0x18100] =	vst v63  }
0x41: {  	s21 =	simm.s32 $0x5900  }
0x42: {  	[tilespmem:s21], [sflag:$0x1] =	stream.indirect_vreg.gather [hbm4b:s7+s3], $0x80, v4, vm0, $0xb8;
	[tilespmem:$0x18100] =	vst v63  }
0x43: {  	s22 =	simm.s32 $0x6100  }
0x44: {  	[tilespmem:s22], [sflag:$0x1] =	stream.indirect_vreg.gather [hbm4b:s2+s3], $0x80, v3, vm0, $0xb8;
	[tilespmem:$0x18100] =	vst v63  }
0x45: {  	s23 =	simm.s32 $0x6900  }
0x46: {  	[tilespmem:s23], [sflag:$0x1] =	stream.indirect_vreg.gather [hbm4b:s5+s3], $0x80, v3, vm0, $0xb8;
	[tilespmem:$0x18100] =	vst v63  }
0x47: {  	s1 =	simm.s32 $0x7100  }
0x48: {  	[tilespmem:s1], [sflag:$0x1] =	stream.indirect_vreg.gather [hbm4b:s6+s3], $0x80, v3, vm0, $0xb8;
	[tilespmem:$0x18100] =	vst v63  }
0x49: {  	s21 =	simm.s32 $0x7900  }
0x4a: {  	[tilespmem:s21], [sflag:$0x1] =	stream.indirect_vreg.gather [hbm4b:s7+s3], $0x80, v3, vm0, $0xb8;
	[tilespmem:$0x18100] =	vst v63  }
0x4b: {  	v3 =	vld [tilespmem:$0x20];
	_ =	sdelay $0x4  }
0x4c: {  	v50 =	vshll.u32 v3, $0x3  }
0x4d: {  	v3 =	vand.u32 $0x7, v3;
	v4 =	vand.u32 $0xFFFFFFC0, v50  }
0x4e: {  	v3 =	vor.u32 v3, v4  }
0x4f: {  	v4 =	vperm.xlane v3, v0;
	_ =	sdelay $0x1  }
0x50: {  	v4 =	vadd.s32 v1, v4;
	_ =	sdelay $0x3  }
0x51: {  	s0 =	simm.s32 $0x8100  }
0x52: {  	[tilespmem:s0], [sflag:$0x1] =	stream.indirect_vreg.gather [hbm4b:s2+s3], $0x80, v4, vm0, $0xb8;
	[tilespmem:$0x18100] =	vst v63  }
0x53: {  	s1 =	simm.s32 $0x8900;
	v3 =	vperm.xlane v3, v2  }
0x54: {  	[tilespmem:s1], [sflag:$0x1] =	stream.indirect_vreg.gather [hbm4b:s5+s3], $0x80, v4, vm0, $0xb8;
	[tilespmem:$0x18100] =	vst v63  }
0x55: {  	s22 =	simm.s32 $0x9100;
	v3 =	vadd.s32 v1, v3  }
0x56: {  	[tilespmem:s22], [sflag:$0x1] =	stream.indirect_vreg.gather [hbm4b:s6+s3], $0x80, v4, vm0, $0xb8;
	[tilespmem:$0x18100] =	vst v63  }
0x57: {  	s23 =	simm.s32 $0x9900  }
0x58: {  	[tilespmem:s23], [sflag:$0x1] =	stream.indirect_vreg.gather [hbm4b:s7+s3], $0x80, v4, vm0, $0xb8;
	[tilespmem:$0x18100] =	vst v63  }
0x59: {  	s21 =	simm.s32 $0xA100  }
0x5a: {  	[tilespmem:s21], [sflag:$0x1] =	stream.indirect_vreg.gather [hbm4b:s2+s3], $0x80, v3, vm0, $0xb8;
	[tilespmem:$0x18100] =	vst v63  }
0x5b: {  	s22 =	simm.s32 $0xA900  }
0x5c: {  	[tilespmem:s22], [sflag:$0x1] =	stream.indirect_vreg.gather [hbm4b:s5+s3], $0x80, v3, vm0, $0xb8;
	[tilespmem:$0x18100] =	vst v63  }
0x5d: {  	s23 =	simm.s32 $0xB100  }
0x5e: {  	[tilespmem:s23], [sflag:$0x1] =	stream.indirect_vreg.gather [hbm4b:s6+s3], $0x80, v3, vm0, $0xb8;
	[tilespmem:$0x18100] =	vst v63  }
0x5f: {  	s21 =	simm.s32 $0xB900  }
0x60: {  	[tilespmem:s21], [sflag:$0x1] =	stream.indirect_vreg.gather [hbm4b:s7+s3], $0x80, v3, vm0, $0xb8;
	[tilespmem:$0x18100] =	vst v63  }
0x61: {  	v3 =	vld [tilespmem:$0x30];
	_ =	sdelay $0x4  }
0x62: {  	v51 =	vshll.u32 v3, $0x3  }
0x63: {  	v3 =	vand.u32 $0x7, v3;
	v4 =	vand.u32 $0xFFFFFFC0, v51  }
0x64: {  	v3 =	vor.u32 v3, v4  }
0x65: {  	v4 =	vperm.xlane v3, v0;
	_ =	sdelay $0x1  }
0x66: {  	v4 =	vadd.s32 v1, v4;
	_ =	sdelay $0x3  }
0x67: {  	s22 =	simm.s32 $0xC100  }
0x68: {  	[tilespmem:s22], [sflag:$0x1] =	stream.indirect_vreg.gather [hbm4b:s2+s3], $0x80, v4, vm0, $0xb8;
	[tilespmem:$0x18100] =	vst v63  }
0x69: {  	s23 =	simm.s32 $0xC900;
	v3 =	vperm.xlane v3, v2  }
0x6a: {  	[tilespmem:s23], [sflag:$0x1] =	stream.indirect_vreg.gather [hbm4b:s5+s3], $0x80, v4, vm0, $0xb8;
	[tilespmem:$0x18100] =	vst v63  }
0x6b: {  	s21 =	simm.s32 $0xD100;
	v3 =	vadd.s32 v1, v3  }
0x6c: {  	[tilespmem:s21], [sflag:$0x1] =	stream.indirect_vreg.gather [hbm4b:s6+s3], $0x80, v4, vm0, $0xb8;
	[tilespmem:$0x18100] =	vst v63  }
0x6d: {  	s22 =	simm.s32 $0xD900  }
0x6e: {  	[tilespmem:s22], [sflag:$0x1] =	stream.indirect_vreg.gather [hbm4b:s7+s3], $0x80, v4, vm0, $0xb8;
	[tilespmem:$0x18100] =	vst v63  }
0x6f: {  	s23 =	simm.s32 $0xE100  }
0x70: {  	[tilespmem:s23], [sflag:$0x1] =	stream.indirect_vreg.gather [hbm4b:s2+s3], $0x80, v3, vm0, $0xb8;
	[tilespmem:$0x18100] =	vst v63  }
0x71: {  	s21 =	simm.s32 $0xE900  }
0x72: {  	[tilespmem:s21], [sflag:$0x1] =	stream.indirect_vreg.gather [hbm4b:s5+s3], $0x80, v3, vm0, $0xb8;
	[tilespmem:$0x18100] =	vst v63  }
0x73: {  	s22 =	simm.s32 $0xF100  }
0x74: {  	[tilespmem:s22], [sflag:$0x1] =	stream.indirect_vreg.gather [hbm4b:s6+s3], $0x80, v3, vm0, $0xb8;
	[tilespmem:$0x18100] =	vst v63  }
0x75: {  	s23 =	simm.s32 $0xF900  }
0x76: {  	[tilespmem:s23], [sflag:$0x1] =	stream.indirect_vreg.gather [hbm4b:s7+s3], $0x80, v3, vm0, $0xb8;
	[tilespmem:$0x18100] =	vst v63  }
0x77: {  	v3 =	vld [tilespmem:$0x40];
	_ =	sdelay $0x4  }
0x78: {  	v52 =	vshll.u32 v3, $0x3  }
0x79: {  	v3 =	vand.u32 $0x7, v3;
	v4 =	vand.u32 $0xFFFFFFC0, v52  }
0x7a: {  	v3 =	vor.u32 v3, v4  }
0x7b: {  	v4 =	vperm.xlane v3, v0;
	_ =	sdelay $0x1  }
0x7c: {  	v4 =	vadd.s32 v1, v4;
	_ =	sdelay $0x4  }
0x7d: {  	[tilespmem:s25], [sflag:$0x1] =	stream.indirect_vreg.gather [hbm4b:s2+s3], $0x80, v4, vm0, $0xb8;
	[tilespmem:$0x18100] =	vst v63  }
0x7e: {  	s1 =	simm.s32 $0x10900;
	v3 =	vperm.xlane v3, v2  }
0x7f: {  	[tilespmem:s1], [sflag:$0x1] =	stream.indirect_vreg.gather [hbm4b:s5+s3], $0x80, v4, vm0, $0xb8;
	[tilespmem:$0x18100] =	vst v63  }
0x80: {  	v3 =	vadd.s32 v1, v3  }
0x81: {  	[tilespmem:s4], [sflag:$0x1] =	stream.indirect_vreg.gather [hbm4b:s6+s3], $0x80, v4, vm0, $0xb8;
	[tilespmem:$0x18100] =	vst v63  }
0x82: {  	_ = 	snop  }
0x83: {  	[tilespmem:s9], [sflag:$0x1] =	stream.indirect_vreg.gather [hbm4b:s7+s3], $0x80, v4, vm0, $0xb8;
	[tilespmem:$0x18100] =	vst v63  }
0x84: {  	_ = 	snop  }
0x85: {  	[tilespmem:s10], [sflag:$0x1] =	stream.indirect_vreg.gather [hbm4b:s2+s3], $0x80, v3, vm0, $0xb8;
	[tilespmem:$0x18100] =	vst v63  }
0x86: {  	_ = 	snop  }
0x87: {  	[tilespmem:s11], [sflag:$0x1] =	stream.indirect_vreg.gather [hbm4b:s5+s3], $0x80, v3, vm0, $0xb8;
	[tilespmem:$0x18100] =	vst v63  }
0x88: {  	_ = 	snop  }
0x89: {  	[tilespmem:s12], [sflag:$0x1] =	stream.indirect_vreg.gather [hbm4b:s6+s3], $0x80, v3, vm0, $0xb8;
	[tilespmem:$0x18100] =	vst v63  }
0x8a: {  	_ = 	snop  }
0x8b: {  	[tilespmem:s13], [sflag:$0x1] =	stream.indirect_vreg.gather [hbm4b:s7+s3], $0x80, v3, vm0, $0xb8;
	[tilespmem:$0x18100] =	vst v63  }
0x8c: {  	v3 =	vld [tilespmem:$0x50];
	_ =	sdelay $0x4  }
0x8d: {  	v53 =	vshll.u32 v3, $0x3  }
0x8e: {  	v3 =	vand.u32 $0x7, v3;
	v4 =	vand.u32 $0xFFFFFFC0, v53  }
0x8f: {  	v3 =	vor.u32 v3, v4  }
0x90: {  	v4 =	vperm.xlane v3, v0;
	_ =	sdelay $0x1  }
0x91: {  	v4 =	vadd.s32 v1, v4;
	_ =	sdelay $0x4  }
0x92: {  	[tilespmem:s14], [sflag:$0x1] =	stream.indirect_vreg.gather [hbm4b:s2+s3], $0x80, v4, vm0, $0xb8;
	[tilespmem:$0x18100] =	vst v63  }
0x93: {  	v3 =	vperm.xlane v3, v2  }
0x94: {  	[tilespmem:s15], [sflag:$0x1] =	stream.indirect_vreg.gather [hbm4b:s5+s3], $0x80, v4, vm0, $0xb8;
	[tilespmem:$0x18100] =	vst v63  }
0x95: {  	v3 =	vadd.s32 v1, v3  }
0x96: {  	[tilespmem:s16], [sflag:$0x1] =	stream.indirect_vreg.gather [hbm4b:s6+s3], $0x80, v4, vm0, $0xb8;
	[tilespmem:$0x18100] =	vst v63  }
0x97: {  	_ = 	snop  }
0x98: {  	[tilespmem:s17], [sflag:$0x1] =	stream.indirect_vreg.gather [hbm4b:s7+s3], $0x80, v4, vm0, $0xb8;
	[tilespmem:$0x18100] =	vst v63  }
0x99: {  	_ = 	snop  }
0x9a: {  	[tilespmem:s18], [sflag:$0x1] =	stream.indirect_vreg.gather [hbm4b:s2+s3], $0x80, v3, vm0, $0xb8;
	[tilespmem:$0x18100] =	vst v63  }
0x9b: {  	s22 =	simm.s32 $0x16900  }
0x9c: {  	[tilespmem:s22], [sflag:$0x1] =	stream.indirect_vreg.gather [hbm4b:s5+s3], $0x80, v3, vm0, $0xb8;
	[tilespmem:$0x18100] =	vst v63  }
0x9d: {  	s23 =	simm.s32 $0x17100  }
0x9e: {  	[tilespmem:s23], [sflag:$0x1] =	stream.indirect_vreg.gather [hbm4b:s6+s3], $0x80, v3, vm0, $0xb8;
	[tilespmem:$0x18100] =	vst v63  }
0x9f: {  	_ = 	snop  }
0xa0: {  	[tilespmem:s24], [sflag:$0x1] =	stream.indirect_vreg.gather [hbm4b:s7+s3], $0x80, v3, vm0, $0xb8;
	[tilespmem:$0x18100] =	vst v63  }
0xa1: {  	_ =	swait.ge [sflag:s19], $0x8000  }
0xa2: {  	[sflag:s19] =	ssyncset.done $0x0  }
0xa3: {  	s21 =	rddreg [dreg:$0xe];
	[sflag:s19] =	ssyncadd.s32 $0xFFFF8000  }
0xa4: {  	[hbm4b:s21+s3] =	stream.linear.scatter [tilespmem:s26], [sflag:$0x2], $0x8000, $0x38;
	[tilespmem:$0x18100] =	vst v63  }
0xa5: {  	_ =	swait.ge [sflag:s20], $0x8000  }
0xa6: {  	[sflag:s20] =	ssyncset.done $0x0  }
0xa7: {  	[sflag:s20] =	ssyncadd.s32 $0xFFFF8000  }
0xa8: {  	v3 =	vld [tilespmem:$0x60];
	_ =	sdelay $0x4  }
0xa9: {  	v54 =	vshll.u32 v3, $0x3  }
0xaa: {  	v3 =	vand.u32 $0x7, v3;
	v4 =	vand.u32 $0xFFFFFFC0, v54  }
0xab: {  	v3 =	vor.u32 v3, v4  }
0xac: {  	v4 =	vperm.xlane v3, v0;
	_ =	sdelay $0x1  }
0xad: {  	v4 =	vadd.s32 v1, v4;
	_ =	sdelay $0x4  }
0xae: {  	[tilespmem:s26], [sflag:$0x1] =	stream.indirect_vreg.gather [hbm4b:s2+s3], $0x80, v4, vm0, $0xb8;
	[tilespmem:$0x18100] =	vst v63  }
0xaf: {  	s21 =	simm.s32 $0x900;
	v3 =	vperm.xlane v3, v2  }
0xb0: {  	[tilespmem:s21], [sflag:$0x1] =	stream.indirect_vreg.gather [hbm4b:s5+s3], $0x80, v4, vm0, $0xb8;
	[tilespmem:$0x18100] =	vst v63  }
0xb1: {  	v3 =	vadd.s32 v1, v3;
	s21 =	simm.s32 $0x1100  }
0xb2: {  	[tilespmem:s21], [sflag:$0x1] =	stream.indirect_vreg.gather [hbm4b:s6+s3], $0x80, v4, vm0, $0xb8;
	[tilespmem:$0x18100] =	vst v63  }
0xb3: {  	s21 =	simm.s32 $0x1900  }
0xb4: {  	[tilespmem:s21], [sflag:$0x1] =	stream.indirect_vreg.gather [hbm4b:s7+s3], $0x80, v4, vm0, $0xb8;
	[tilespmem:$0x18100] =	vst v63  }
0xb5: {  	s21 =	simm.s32 $0x2100  }
0xb6: {  	[tilespmem:s21], [sflag:$0x1] =	stream.indirect_vreg.gather [hbm4b:s2+s3], $0x80, v3, vm0, $0xb8;
	[tilespmem:$0x18100] =	vst v63  }
0xb7: {  	_ = 	snop  }
0xb8: {  	[tilespmem:s28], [sflag:$0x1] =	stream.indirect_vreg.gather [hbm4b:s5+s3], $0x80, v3, vm0, $0xb8;
	[tilespmem:$0x18100] =	vst v63  }
0xb9: {  	_ = 	snop  }
0xba: {  	[tilespmem:s29], [sflag:$0x1] =	stream.indirect_vreg.gather [hbm4b:s6+s3], $0x80, v3, vm0, $0xb8;
	[tilespmem:$0x18100] =	vst v63  }
0xbb: {  	_ = 	snop  }
0xbc: {  	[tilespmem:s30], [sflag:$0x1] =	stream.indirect_vreg.gather [hbm4b:s7+s3], $0x80, v3, vm0, $0xb8;
	[tilespmem:$0x18100] =	vst v63  }
0xbd: {  	v3 =	vld [tilespmem:$0x70];
	_ =	sdelay $0x4  }
0xbe: {  	v55 =	vshll.u32 v3, $0x3  }
0xbf: {  	v3 =	vand.u32 $0x7, v3;
	v4 =	vand.u32 $0xFFFFFFC0, v55  }
0xc0: {  	v3 =	vor.u32 v3, v4  }
0xc1: {  	v4 =	vperm.xlane v3, v0;
	_ =	sdelay $0x1  }
0xc2: {  	v4 =	vadd.s32 v1, v4;
	_ =	sdelay $0x4  }
0xc3: {  	[tilespmem:s31], [sflag:$0x1] =	stream.indirect_vreg.gather [hbm4b:s2+s3], $0x80, v4, vm0, $0xb8;
	[tilespmem:$0x18100] =	vst v63  }
0xc4: {  	s21 =	simm.s32 $0x4900;
	v3 =	vperm.xlane v3, v2  }
0xc5: {  	[tilespmem:s21], [sflag:$0x1] =	stream.indirect_vreg.gather [hbm4b:s5+s3], $0x80, v4, vm0, $0xb8;
	[tilespmem:$0x18100] =	vst v63  }
0xc6: {  	v3 =	vadd.s32 v1, v3;
	s21 =	simm.s32 $0x5100  }
0xc7: {  	[tilespmem:s21], [sflag:$0x1] =	stream.indirect_vreg.gather [hbm4b:s6+s3], $0x80, v4, vm0, $0xb8;
	[tilespmem:$0x18100] =	vst v63  }
0xc8: {  	s21 =	simm.s32 $0x5900  }
0xc9: {  	[tilespmem:s21], [sflag:$0x1] =	stream.indirect_vreg.gather [hbm4b:s7+s3], $0x80, v4, vm0, $0xb8;
	[tilespmem:$0x18100] =	vst v63  }
0xca: {  	s21 =	simm.s32 $0x6100  }
0xcb: {  	[tilespmem:s21], [sflag:$0x1] =	stream.indirect_vreg.gather [hbm4b:s2+s3], $0x80, v3, vm0, $0xb8;
	[tilespmem:$0x18100] =	vst v63  }
0xcc: {  	s21 =	simm.s32 $0x6900  }
0xcd: {  	[tilespmem:s21], [sflag:$0x1] =	stream.indirect_vreg.gather [hbm4b:s5+s3], $0x80, v3, vm0, $0xb8;
	[tilespmem:$0x18100] =	vst v63  }
0xce: {  	s21 =	simm.s32 $0x7100  }
0xcf: {  	[tilespmem:s21], [sflag:$0x1] =	stream.indirect_vreg.gather [hbm4b:s6+s3], $0x80, v3, vm0, $0xb8;
	[tilespmem:$0x18100] =	vst v63  }
0xd0: {  	s21 =	simm.s32 $0x7900  }
0xd1: {  	[tilespmem:s21], [sflag:$0x1] =	stream.indirect_vreg.gather [hbm4b:s7+s3], $0x80, v3, vm0, $0xb8;
	[tilespmem:$0x18100] =	vst v63  }
0xd2: {  	_ =	swait.ge [sflag:s19], $0x8000  }
0xd3: {  	[sflag:s19] =	ssyncset.done $0x0  }
0xd4: {  	s21 =	rddreg [dreg:$0x5];
	[sflag:s19] =	ssyncadd.s32 $0xFFFF8000  }
0xd5: {  	[hbm4b:s21+s3] =	stream.linear.scatter [tilespmem:s0], [sflag:$0x2], $0x8000, $0x38;
	[tilespmem:$0x18100] =	vst v63  }
0xd6: {  	_ =	swait.ge [sflag:s20], $0x8000  }
0xd7: {  	[sflag:s20] =	ssyncset.done $0x0  }
0xd8: {  	[sflag:s20] =	ssyncadd.s32 $0xFFFF8000  }
0xd9: {  	v3 =	vld [tilespmem:$0x80];
	_ =	sdelay $0x4  }
0xda: {  	v56 =	vshll.u32 v3, $0x3  }
0xdb: {  	v3 =	vand.u32 $0x7, v3;
	v4 =	vand.u32 $0xFFFFFFC0, v56  }
0xdc: {  	v3 =	vor.u32 v3, v4  }
0xdd: {  	v4 =	vperm.xlane v3, v0;
	_ =	sdelay $0x1  }
0xde: {  	v4 =	vadd.s32 v1, v4;
	_ =	sdelay $0x4  }
0xdf: {  	[tilespmem:s0], [sflag:$0x1] =	stream.indirect_vreg.gather [hbm4b:s2+s3], $0x80, v4, vm0, $0xb8;
	[tilespmem:$0x18100] =	vst v63  }
0xe0: {  	s21 =	simm.s32 $0x8900;
	v3 =	vperm.xlane v3, v2  }
0xe1: {  	[tilespmem:s21], [sflag:$0x1] =	stream.indirect_vreg.gather [hbm4b:s5+s3], $0x80, v4, vm0, $0xb8;
	[tilespmem:$0x18100] =	vst v63  }
0xe2: {  	v3 =	vadd.s32 v1, v3;
	s21 =	simm.s32 $0x9100  }
0xe3: {  	[tilespmem:s21], [sflag:$0x1] =	stream.indirect_vreg.gather [hbm4b:s6+s3], $0x80, v4, vm0, $0xb8;
	[tilespmem:$0x18100] =	vst v63  }
0xe4: {  	s21 =	simm.s32 $0x9900  }
0xe5: {  	[tilespmem:s21], [sflag:$0x1] =	stream.indirect_vreg.gather [hbm4b:s7+s3], $0x80, v4, vm0, $0xb8;
	[tilespmem:$0x18100] =	vst v63  }
0xe6: {  	s21 =	simm.s32 $0xA100  }
0xe7: {  	[tilespmem:s21], [sflag:$0x1] =	stream.indirect_vreg.gather [hbm4b:s2+s3], $0x80, v3, vm0, $0xb8;
	[tilespmem:$0x18100] =	vst v63  }
0xe8: {  	s21 =	simm.s32 $0xA900  }
0xe9: {  	[tilespmem:s21], [sflag:$0x1] =	stream.indirect_vreg.gather [hbm4b:s5+s3], $0x80, v3, vm0, $0xb8;
	[tilespmem:$0x18100] =	vst v63  }
0xea: {  	s21 =	simm.s32 $0xB100  }
0xeb: {  	[tilespmem:s21], [sflag:$0x1] =	stream.indirect_vreg.gather [hbm4b:s6+s3], $0x80, v3, vm0, $0xb8;
	[tilespmem:$0x18100] =	vst v63  }
0xec: {  	s21 =	simm.s32 $0xB900  }
0xed: {  	[tilespmem:s21], [sflag:$0x1] =	stream.indirect_vreg.gather [hbm4b:s7+s3], $0x80, v3, vm0, $0xb8;
	[tilespmem:$0x18100] =	vst v63  }
0xee: {  	v3 =	vld [tilespmem:$0x90];
	_ =	sdelay $0x4  }
0xef: {  	v57 =	vshll.u32 v3, $0x3  }
0xf0: {  	v3 =	vand.u32 $0x7, v3;
	v4 =	vand.u32 $0xFFFFFFC0, v57  }
0xf1: {  	v3 =	vor.u32 v3, v4  }
0xf2: {  	v4 =	vperm.xlane v3, v0;
	_ =	sdelay $0x1  }
0xf3: {  	v4 =	vadd.s32 v1, v4;
	_ =	sdelay $0x3  }
0xf4: {  	s21 =	simm.s32 $0xC100  }
0xf5: {  	[tilespmem:s21], [sflag:$0x1] =	stream.indirect_vreg.gather [hbm4b:s2+s3], $0x80, v4, vm0, $0xb8;
	[tilespmem:$0x18100] =	vst v63  }
0xf6: {  	v3 =	vperm.xlane v3, v2;
	s21 =	simm.s32 $0xC900  }
0xf7: {  	[tilespmem:s21], [sflag:$0x1] =	stream.indirect_vreg.gather [hbm4b:s5+s3], $0x80, v4, vm0, $0xb8;
	[tilespmem:$0x18100] =	vst v63  }
0xf8: {  	v3 =	vadd.s32 v1, v3;
	s21 =	simm.s32 $0xD100  }
0xf9: {  	[tilespmem:s21], [sflag:$0x1] =	stream.indirect_vreg.gather [hbm4b:s6+s3], $0x80, v4, vm0, $0xb8;
	[tilespmem:$0x18100] =	vst v63  }
0xfa: {  	s21 =	simm.s32 $0xD900  }
0xfb: {  	[tilespmem:s21], [sflag:$0x1] =	stream.indirect_vreg.gather [hbm4b:s7+s3], $0x80, v4, vm0, $0xb8;
	[tilespmem:$0x18100] =	vst v63  }
0xfc: {  	s21 =	simm.s32 $0xE100  }
0xfd: {  	[tilespmem:s21], [sflag:$0x1] =	stream.indirect_vreg.gather [hbm4b:s2+s3], $0x80, v3, vm0, $0xb8;
	[tilespmem:$0x18100] =	vst v63  }
0xfe: {  	s21 =	simm.s32 $0xE900  }
0xff: {  	[tilespmem:s21], [sflag:$0x1] =	stream.indirect_vreg.gather [hbm4b:s5+s3], $0x80, v3, vm0, $0xb8;
	[tilespmem:$0x18100] =	vst v63  }
0x100: {  	s21 =	simm.s32 $0xF100  }
0x101: {  	[tilespmem:s21], [sflag:$0x1] =	stream.indirect_vreg.gather [hbm4b:s6+s3], $0x80, v3, vm0, $0xb8;
	[tilespmem:$0x18100] =	vst v63  }
0x102: {  	s21 =	simm.s32 $0xF900  }
0x103: {  	[tilespmem:s21], [sflag:$0x1] =	stream.indirect_vreg.gather [hbm4b:s7+s3], $0x80, v3, vm0, $0xb8;
	[tilespmem:$0x18100] =	vst v63  }
0x104: {  	_ =	swait.ge [sflag:s19], $0x8000  }
0x105: {  	[sflag:s19] =	ssyncset.done $0x0  }
0x106: {  	s21 =	rddreg [dreg:$0x6];
	[sflag:s19] =	ssyncadd.s32 $0xFFFF8000  }
0x107: {  	[hbm4b:s21+s3] =	stream.linear.scatter [tilespmem:s25], [sflag:$0x2], $0x8000, $0x38;
	[tilespmem:$0x18100] =	vst v63  }
0x108: {  	_ =	swait.ge [sflag:s20], $0x8000  }
0x109: {  	[sflag:s20] =	ssyncset.done $0x0  }
0x10a: {  	[sflag:s20] =	ssyncadd.s32 $0xFFFF8000  }
0x10b: {  	v3 =	vld [tilespmem:$0xA0];
	_ =	sdelay $0x4  }
0x10c: {  	v58 =	vshll.u32 v3, $0x3  }
0x10d: {  	v3 =	vand.u32 $0x7, v3;
	v4 =	vand.u32 $0xFFFFFFC0, v58  }
0x10e: {  	v3 =	vor.u32 v3, v4  }
0x10f: {  	v4 =	vperm.xlane v3, v0;
	_ =	sdelay $0x1  }
0x110: {  	v4 =	vadd.s32 v1, v4;
	_ =	sdelay $0x4  }
0x111: {  	[tilespmem:s25], [sflag:$0x1] =	stream.indirect_vreg.gather [hbm4b:s2+s3], $0x80, v4, vm0, $0xb8;
	[tilespmem:$0x18100] =	vst v63  }
0x112: {  	v3 =	vperm.xlane v3, v2  }
0x113: {  	[tilespmem:s1], [sflag:$0x1] =	stream.indirect_vreg.gather [hbm4b:s5+s3], $0x80, v4, vm0, $0xb8;
	[tilespmem:$0x18100] =	vst v63  }
0x114: {  	v3 =	vadd.s32 v1, v3  }
0x115: {  	[tilespmem:s4], [sflag:$0x1] =	stream.indirect_vreg.gather [hbm4b:s6+s3], $0x80, v4, vm0, $0xb8;
	[tilespmem:$0x18100] =	vst v63  }
0x116: {  	_ = 	snop  }
0x117: {  	[tilespmem:s9], [sflag:$0x1] =	stream.indirect_vreg.gather [hbm4b:s7+s3], $0x80, v4, vm0, $0xb8;
	[tilespmem:$0x18100] =	vst v63  }
0x118: {  	_ = 	snop  }
0x119: {  	[tilespmem:s10], [sflag:$0x1] =	stream.indirect_vreg.gather [hbm4b:s2+s3], $0x80, v3, vm0, $0xb8;
	[tilespmem:$0x18100] =	vst v63  }
0x11a: {  	_ = 	snop  }
0x11b: {  	[tilespmem:s11], [sflag:$0x1] =	stream.indirect_vreg.gather [hbm4b:s5+s3], $0x80, v3, vm0, $0xb8;
	[tilespmem:$0x18100] =	vst v63  }
0x11c: {  	_ = 	snop  }
0x11d: {  	[tilespmem:s12], [sflag:$0x1] =	stream.indirect_vreg.gather [hbm4b:s6+s3], $0x80, v3, vm0, $0xb8;
	[tilespmem:$0x18100] =	vst v63  }
0x11e: {  	_ = 	snop  }
0x11f: {  	[tilespmem:s13], [sflag:$0x1] =	stream.indirect_vreg.gather [hbm4b:s7+s3], $0x80, v3, vm0, $0xb8;
	[tilespmem:$0x18100] =	vst v63  }
0x120: {  	v3 =	vld [tilespmem:$0xB0];
	_ =	sdelay $0x4  }
0x121: {  	v59 =	vshll.u32 v3, $0x3  }
0x122: {  	v3 =	vand.u32 $0x7, v3;
	v4 =	vand.u32 $0xFFFFFFC0, v59  }
0x123: {  	v3 =	vor.u32 v3, v4  }
0x124: {  	v4 =	vperm.xlane v3, v0;
	_ =	sdelay $0x1  }
0x125: {  	v4 =	vadd.s32 v1, v4;
	_ =	sdelay $0x4  }
0x126: {  	[tilespmem:s14], [sflag:$0x1] =	stream.indirect_vreg.gather [hbm4b:s2+s3], $0x80, v4, vm0, $0xb8;
	[tilespmem:$0x18100] =	vst v63  }
0x127: {  	v3 =	vperm.xlane v3, v2  }
0x128: {  	[tilespmem:s15], [sflag:$0x1] =	stream.indirect_vreg.gather [hbm4b:s5+s3], $0x80, v4, vm0, $0xb8;
	[tilespmem:$0x18100] =	vst v63  }
0x129: {  	v3 =	vadd.s32 v1, v3  }
0x12a: {  	[tilespmem:s16], [sflag:$0x1] =	stream.indirect_vreg.gather [hbm4b:s6+s3], $0x80, v4, vm0, $0xb8;
	[tilespmem:$0x18100] =	vst v63  }
0x12b: {  	_ = 	snop  }
0x12c: {  	[tilespmem:s17], [sflag:$0x1] =	stream.indirect_vreg.gather [hbm4b:s7+s3], $0x80, v4, vm0, $0xb8;
	[tilespmem:$0x18100] =	vst v63  }
0x12d: {  	_ = 	snop  }
0x12e: {  	[tilespmem:s18], [sflag:$0x1] =	stream.indirect_vreg.gather [hbm4b:s2+s3], $0x80, v3, vm0, $0xb8;
	[tilespmem:$0x18100] =	vst v63  }
0x12f: {  	_ = 	snop  }
0x130: {  	[tilespmem:s22], [sflag:$0x1] =	stream.indirect_vreg.gather [hbm4b:s5+s3], $0x80, v3, vm0, $0xb8;
	[tilespmem:$0x18100] =	vst v63  }
0x131: {  	_ = 	snop  }
0x132: {  	[tilespmem:s23], [sflag:$0x1] =	stream.indirect_vreg.gather [hbm4b:s6+s3], $0x80, v3, vm0, $0xb8;
	[tilespmem:$0x18100] =	vst v63  }
0x133: {  	_ = 	snop  }
0x134: {  	[tilespmem:s24], [sflag:$0x1] =	stream.indirect_vreg.gather [hbm4b:s7+s3], $0x80, v3, vm0, $0xb8;
	[tilespmem:$0x18100] =	vst v63  }
0x135: {  	_ =	swait.ge [sflag:s19], $0x8000  }
0x136: {  	[sflag:s19] =	ssyncset.done $0x0  }
0x137: {  	s1 =	rddreg [dreg:$0x7];
	[sflag:s19] =	ssyncadd.s32 $0xFFFF8000  }
0x138: {  	[hbm4b:s1+s3] =	stream.linear.scatter [tilespmem:s26], [sflag:$0x2], $0x8000, $0x38;
	[tilespmem:$0x18100] =	vst v63  }
0x139: {  	_ =	swait.ge [sflag:s20], $0x8000  }
0x13a: {  	[sflag:s20] =	ssyncset.done $0x0  }
0x13b: {  	[sflag:s20] =	ssyncadd.s32 $0xFFFF8000  }
0x13c: {  	v3 =	vld [tilespmem:$0xC0];
	_ =	sdelay $0x4  }
0x13d: {  	v60 =	vshll.u32 v3, $0x3  }
0x13e: {  	v3 =	vand.u32 $0x7, v3;
	v4 =	vand.u32 $0xFFFFFFC0, v60  }
0x13f: {  	v3 =	vor.u32 v3, v4  }
0x140: {  	v4 =	vperm.xlane v3, v0;
	_ =	sdelay $0x1  }
0x141: {  	v4 =	vadd.s32 v1, v4;
	_ =	sdelay $0x4  }
0x142: {  	[tilespmem:s26], [sflag:$0x1] =	stream.indirect_vreg.gather [hbm4b:s2+s3], $0x80, v4, vm0, $0xb8;
	[tilespmem:$0x18100] =	vst v63  }
0x143: {  	s22 =	simm.s32 $0x900;
	v3 =	vperm.xlane v3, v2  }
0x144: {  	[tilespmem:s22], [sflag:$0x1] =	stream.indirect_vreg.gather [hbm4b:s5+s3], $0x80, v4, vm0, $0xb8;
	[tilespmem:$0x18100] =	vst v63  }
0x145: {  	s23 =	simm.s32 $0x1100;
	v3 =	vadd.s32 v1, v3  }
0x146: {  	[tilespmem:s23], [sflag:$0x1] =	stream.indirect_vreg.gather [hbm4b:s6+s3], $0x80, v4, vm0, $0xb8;
	[tilespmem:$0x18100] =	vst v63  }
0x147: {  	s21 =	simm.s32 $0x1900  }
0x148: {  	[tilespmem:s21], [sflag:$0x1] =	stream.indirect_vreg.gather [hbm4b:s7+s3], $0x80, v4, vm0, $0xb8;
	[tilespmem:$0x18100] =	vst v63  }
0x149: {  	s22 =	simm.s32 $0x2100  }
0x14a: {  	[tilespmem:s22], [sflag:$0x1] =	stream.indirect_vreg.gather [hbm4b:s2+s3], $0x80, v3, vm0, $0xb8;
	[tilespmem:$0x18100] =	vst v63  }
0x14b: {  	_ = 	snop  }
0x14c: {  	[tilespmem:s28], [sflag:$0x1] =	stream.indirect_vreg.gather [hbm4b:s5+s3], $0x80, v3, vm0, $0xb8;
	[tilespmem:$0x18100] =	vst v63  }
0x14d: {  	_ = 	snop  }
0x14e: {  	[tilespmem:s29], [sflag:$0x1] =	stream.indirect_vreg.gather [hbm4b:s6+s3], $0x80, v3, vm0, $0xb8;
	[tilespmem:$0x18100] =	vst v63  }
0x14f: {  	_ = 	snop  }
0x150: {  	[tilespmem:s30], [sflag:$0x1] =	stream.indirect_vreg.gather [hbm4b:s7+s3], $0x80, v3, vm0, $0xb8;
	[tilespmem:$0x18100] =	vst v63  }
0x151: {  	v3 =	vld [tilespmem:$0xD0];
	_ =	sdelay $0x4  }
0x152: {  	v61 =	vshll.u32 v3, $0x3  }
0x153: {  	v3 =	vand.u32 $0x7, v3;
	v4 =	vand.u32 $0xFFFFFFC0, v61  }
0x154: {  	v3 =	vor.u32 v3, v4  }
0x155: {  	v4 =	vperm.xlane v3, v0;
	_ =	sdelay $0x1  }
0x156: {  	v4 =	vadd.s32 v1, v4;
	_ =	sdelay $0x4  }
0x157: {  	[tilespmem:s31], [sflag:$0x1] =	stream.indirect_vreg.gather [hbm4b:s2+s3], $0x80, v4, vm0, $0xb8;
	[tilespmem:$0x18100] =	vst v63  }
0x158: {  	s23 =	simm.s32 $0x4900;
	v3 =	vperm.xlane v3, v2  }
0x159: {  	[tilespmem:s23], [sflag:$0x1] =	stream.indirect_vreg.gather [hbm4b:s5+s3], $0x80, v4, vm0, $0xb8;
	[tilespmem:$0x18100] =	vst v63  }
0x15a: {  	s21 =	simm.s32 $0x5100;
	v3 =	vadd.s32 v1, v3  }
0x15b: {  	[tilespmem:s21], [sflag:$0x1] =	stream.indirect_vreg.gather [hbm4b:s6+s3], $0x80, v4, vm0, $0xb8;
	[tilespmem:$0x18100] =	vst v63  }
0x15c: {  	s22 =	simm.s32 $0x5900  }
0x15d: {  	[tilespmem:s22], [sflag:$0x1] =	stream.indirect_vreg.gather [hbm4b:s7+s3], $0x80, v4, vm0, $0xb8;
	[tilespmem:$0x18100] =	vst v63  }
0x15e: {  	s23 =	simm.s32 $0x6100  }
0x15f: {  	[tilespmem:s23], [sflag:$0x1] =	stream.indirect_vreg.gather [hbm4b:s2+s3], $0x80, v3, vm0, $0xb8;
	[tilespmem:$0x18100] =	vst v63  }
0x160: {  	s21 =	simm.s32 $0x6900  }
0x161: {  	[tilespmem:s21], [sflag:$0x1] =	stream.indirect_vreg.gather [hbm4b:s5+s3], $0x80, v3, vm0, $0xb8;
	[tilespmem:$0x18100] =	vst v63  }
0x162: {  	s22 =	simm.s32 $0x7100  }
0x163: {  	[tilespmem:s22], [sflag:$0x1] =	stream.indirect_vreg.gather [hbm4b:s6+s3], $0x80, v3, vm0, $0xb8;
	[tilespmem:$0x18100] =	vst v63  }
0x164: {  	s23 =	simm.s32 $0x7900  }
0x165: {  	[tilespmem:s23], [sflag:$0x1] =	stream.indirect_vreg.gather [hbm4b:s7+s3], $0x80, v3, vm0, $0xb8;
	[tilespmem:$0x18100] =	vst v63  }
0x166: {  	_ =	swait.ge [sflag:s19], $0x8000  }
0x167: {  	[sflag:s19] =	ssyncset.done $0x0  }
0x168: {  	s1 =	rddreg [dreg:$0x8];
	[sflag:s19] =	ssyncadd.s32 $0xFFFF8000  }
0x169: {  	[hbm4b:s1+s3] =	stream.linear.scatter [tilespmem:s0], [sflag:$0x2], $0x8000, $0x38;
	[tilespmem:$0x18100] =	vst v63  }
0x16a: {  	_ =	swait.ge [sflag:s20], $0x8000  }
0x16b: {  	[sflag:s20] =	ssyncset.done $0x0  }
0x16c: {  	[sflag:s20] =	ssyncadd.s32 $0xFFFF8000  }
0x16d: {  	v3 =	vld [tilespmem:$0xE0];
	_ =	sdelay $0x4  }
0x16e: {  	v62 =	vshll.u32 v3, $0x3  }
0x16f: {  	v3 =	vand.u32 $0x7, v3;
	v4 =	vand.u32 $0xFFFFFFC0, v62  }
0x170: {  	v3 =	vor.u32 v3, v4  }
0x171: {  	v4 =	vperm.xlane v3, v0;
	_ =	sdelay $0x1  }
0x172: {  	v4 =	vadd.s32 v1, v4;
	_ =	sdelay $0x4  }
0x173: {  	[tilespmem:s0], [sflag:$0x1] =	stream.indirect_vreg.gather [hbm4b:s2+s3], $0x80, v4, vm0, $0xb8;
	[tilespmem:$0x18100] =	vst v63  }
0x174: {  	s21 =	simm.s32 $0x8900;
	v3 =	vperm.xlane v3, v2  }
0x175: {  	[tilespmem:s21], [sflag:$0x1] =	stream.indirect_vreg.gather [hbm4b:s5+s3], $0x80, v4, vm0, $0xb8;
	[tilespmem:$0x18100] =	vst v63  }
0x176: {  	s22 =	simm.s32 $0x9100;
	v3 =	vadd.s32 v1, v3  }
0x177: {  	[tilespmem:s22], [sflag:$0x1] =	stream.indirect_vreg.gather [hbm4b:s6+s3], $0x80, v4, vm0, $0xb8;
	[tilespmem:$0x18100] =	vst v63  }
0x178: {  	s23 =	simm.s32 $0x9900  }
0x179: {  	[tilespmem:s23], [sflag:$0x1] =	stream.indirect_vreg.gather [hbm4b:s7+s3], $0x80, v4, vm0, $0xb8;
	[tilespmem:$0x18100] =	vst v63  }
0x17a: {  	s21 =	simm.s32 $0xA100  }
0x17b: {  	[tilespmem:s21], [sflag:$0x1] =	stream.indirect_vreg.gather [hbm4b:s2+s3], $0x80, v3, vm0, $0xb8;
	[tilespmem:$0x18100] =	vst v63  }
0x17c: {  	s22 =	simm.s32 $0xA900  }
0x17d: {  	[tilespmem:s22], [sflag:$0x1] =	stream.indirect_vreg.gather [hbm4b:s5+s3], $0x80, v3, vm0, $0xb8;
	[tilespmem:$0x18100] =	vst v63  }
0x17e: {  	s23 =	simm.s32 $0xB100  }
0x17f: {  	[tilespmem:s23], [sflag:$0x1] =	stream.indirect_vreg.gather [hbm4b:s6+s3], $0x80, v3, vm0, $0xb8;
	[tilespmem:$0x18100] =	vst v63  }
0x180: {  	s21 =	simm.s32 $0xB900  }
0x181: {  	[tilespmem:s21], [sflag:$0x1] =	stream.indirect_vreg.gather [hbm4b:s7+s3], $0x80, v3, vm0, $0xb8;
	[tilespmem:$0x18100] =	vst v63  }
0x182: {  	v3 =	vld [tilespmem:$0xF0];
	_ =	sdelay $0x4  }
0x183: {  	v63 =	vshll.u32 v3, $0x3  }
0x184: {  	v3 =	vand.u32 $0x7, v3;
	v4 =	vand.u32 $0xFFFFFFC0, v63  }
0x185: {  	v3 =	vor.u32 v3, v4  }
0x186: {  	v4 =	vperm.xlane v3, v0;
	_ =	sdelay $0x1  }
0x187: {  	v4 =	vadd.s32 v1, v4;
	_ =	sdelay $0x3  }
0x188: {  	s22 =	simm.s32 $0xC100  }
0x189: {  	[tilespmem:s22], [sflag:$0x1] =	stream.indirect_vreg.gather [hbm4b:s2+s3], $0x80, v4, vm0, $0xb8;
	[tilespmem:$0x18100] =	vst v63  }
0x18a: {  	s23 =	simm.s32 $0xC900;
	v3 =	vperm.xlane v3, v2  }
0x18b: {  	[tilespmem:s23], [sflag:$0x1] =	stream.indirect_vreg.gather [hbm4b:s5+s3], $0x80, v4, vm0, $0xb8;
	[tilespmem:$0x18100] =	vst v63  }
0x18c: {  	s21 =	simm.s32 $0xD100;
	v3 =	vadd.s32 v1, v3  }
0x18d: {  	[tilespmem:s21], [sflag:$0x1] =	stream.indirect_vreg.gather [hbm4b:s6+s3], $0x80, v4, vm0, $0xb8;
	[tilespmem:$0x18100] =	vst v63  }
0x18e: {  	s22 =	simm.s32 $0xD900  }
0x18f: {  	[tilespmem:s22], [sflag:$0x1] =	stream.indirect_vreg.gather [hbm4b:s7+s3], $0x80, v4, vm0, $0xb8;
	[tilespmem:$0x18100] =	vst v63  }
0x190: {  	s23 =	simm.s32 $0xE100  }
0x191: {  	[tilespmem:s23], [sflag:$0x1] =	stream.indirect_vreg.gather [hbm4b:s2+s3], $0x80, v3, vm0, $0xb8;
	[tilespmem:$0x18100] =	vst v63  }
0x192: {  	s21 =	simm.s32 $0xE900  }
0x193: {  	[tilespmem:s21], [sflag:$0x1] =	stream.indirect_vreg.gather [hbm4b:s5+s3], $0x80, v3, vm0, $0xb8;
	[tilespmem:$0x18100] =	vst v63  }
0x194: {  	s22 =	simm.s32 $0xF100  }
0x195: {  	[tilespmem:s22], [sflag:$0x1] =	stream.indirect_vreg.gather [hbm4b:s6+s3], $0x80, v3, vm0, $0xb8;
	[tilespmem:$0x18100] =	vst v63  }
0x196: {  	s23 =	simm.s32 $0xF900  }
0x197: {  	[tilespmem:s23], [sflag:$0x1] =	stream.indirect_vreg.gather [hbm4b:s7+s3], $0x80, v3, vm0, $0xb8;
	[tilespmem:$0x18100] =	vst v63  }
0x198: {  	_ =	swait.ge [sflag:s19], $0x8000  }
0x199: {  	[sflag:s19] =	ssyncset.done $0x0  }
0x19a: {  	s1 =	rddreg [dreg:$0x9];
	[sflag:s19] =	ssyncadd.s32 $0xFFFF8000  }
0x19b: {  	[hbm4b:s1+s3] =	stream.linear.scatter [tilespmem:s25], [sflag:$0x2], $0x8000, $0x38;
	[tilespmem:$0x18100] =	vst v63  }
0x19c: {  	_ =	swait.ge [sflag:s19], $0x8000  }
0x19d: {  	[sflag:s19] =	ssyncset.done $0x0  }
0x19e: {  	s22 =	rddreg [dreg:$0xa];
	[sflag:s19] =	ssyncadd.s32 $0xFFFF8000  }
0x19f: {  	[hbm4b:s22+s3] =	stream.linear.scatter [tilespmem:s26], [sflag:$0x2], $0x8000, $0x38;
	[tilespmem:$0x18100] =	vst v63  }
0x1a0: {  	_ =	swait.ge [sflag:s19], $0x8000  }
0x1a1: {  	[sflag:s19] =	ssyncset.done $0x0  }
0x1a2: {  	s23 =	rddreg [dreg:$0xb];
	[sflag:s19] =	ssyncadd.s32 $0xFFFF8000  }
0x1a3: {  	[hbm4b:s23+s3] =	stream.linear.scatter [tilespmem:s0], [sflag:$0x2], $0x8000, $0x38;
	[tilespmem:$0x18100] =	vst v63  }
0x1a4: {  	_ =	swait.ge [sflag:s20], $0x8000  }
0x1a5: {  	[sflag:s20] =	ssyncset.done $0x0  }
0x1a6: {  	[sflag:s20] =	ssyncadd.s32 $0xFFFF8000  }
0x1a7: {  	p0 =	sne.s32 s8, $0x1;
	_ =	swait.ge [sflag:s20], $0x8000  }
.Ltmp0:
0x1a8: {  	[sflag:s20] =	ssyncset.done $0x0;
	(pc) =	sbr.rel @p0 .LBB2_1-.Ltmp0, $4  }
0x1a9: {  	[sflag:s20] =	ssyncadd.s32 $0xFFFF8000  }
0x1aa: {  	_ =	swait.ge [sflag:s20], $0x8000  }
0x1ab: {  	[sflag:s20] =	ssyncset.done $0x0  }
0x1ac: {  	s8 =	sadd.s32 $0xFFFFFFFF, s8;
	[sflag:s20] =	ssyncadd.s32 $0xFFFF8000  }
0x1ad: {  	_ =	sfence.sel $0x180000  }
0x1ae: {  	[bflag:$0x0] =	sbarrier.arrive $0xFFFF  }
0x1af: {  	_ =	strace $0x90000047  }
0x1b0: {  	s0 =	stileid.u32;
	[bflag:$0x2] =	sbarrier.arrive $0xFFFF  }
0x1b1: {  	p0 =	sne.s32 s0, $0x0;
	s0 =	rddreg [dreg:$0x3]  }
0x1b2: {  	s0 =	sadd.s32 @!p0 $0x100000, s0  }
0x1b3: {  	[sflag:s0] =	ssyncadd.tile.s32 @!p0 $0x1;
	_ =	shalt  }
.Lfunc_end2:
_tile_overlayer_lowered:
.L_overlay_start_2:
0x1b4: {  	(tag) =	ssettag $0x2  }
0x1b5: {  	s0 =	rddreg [dreg:$0x0];
	s2 =	stileid.u32  }
0x1b6: {  	s1 =	rddreg [dreg:$0x1];
	p0 =	sne.s32 s2, $0x0  }
0x1b7: {  	s3 =	rddreg [dreg:$0x2];
	[bflag:$0x3] =	sbarrier.arrive $0xFFFF;
	s2 =	simm.s32 @!p0 $0x1C03  }
0x1b8: {  	[timem:s3], [sflag:s2] =	dma.local @!p0 [hbm:s0], s1  }
0x1b9: {  	s0 =	simm.s32 @!p0 $0x3  }
0x1ba: {  	_ =	swait.ge @!p0 [sflag:s0], s1  }
0x1bb: {  	s1 =	ssub.s32 @!p0 $0x0, s1;
	[sflag:s0] =	ssyncset.done @!p0 $0x0  }
0x1bc: {  	[sflag:s0] =	ssyncadd.s32 @!p0 s1  }
0x1bd: {  	[bflag:$0x3] =	sbarrier.arrive $0xFFFF  }
0x1be: {  	_ =	shalt  }

</sc_bundles>
